<compile_context>
chip_gen: v7x
topology: tpu7x:2x2x1
jax: 0.10.2.dev20260603
libtpu: 0.0.44.dev20260713+nightly
codegen_flags: <defaults>
</compile_context>

<pallas_src>
import functools

import jax
import jax.numpy as jnp
from jax import lax
from jax.experimental import pallas as pl
from jax.experimental.pallas import tpu as pltpu
from jax.experimental.pallas import tpu_sc as plsc

N_EDGES_K = 320000
D_K = 128
N_NODES_K = 10000
N_PAD_K = 10240

NC = 2
NS = 16
NW = NC * NS

EDGES_PER_TILE = N_EDGES_K // NW
BLK = 128
NF = EDGES_PER_TILE // BLK
TAIL = EDGES_PER_TILE - NF * BLK
ROWS_PER_TILE = N_PAD_K // NS
ZROWS = 128


def _sc_partial_sums(x, index):
    mesh = plsc.VectorSubcoreMesh(
        core_axis_name="c", subcore_axis_name="s", num_cores=NC,
        num_subcores=NS)

    @functools.partial(
        pl.kernel,
        out_type=jax.ShapeDtypeStruct((NC * N_PAD_K, D_K), jnp.float32),
        mesh=mesh,
        scratch_types=[
            pltpu.VMEM((2, BLK, D_K), jnp.float32),
            pltpu.VMEM((2, BLK), jnp.int32),
            pltpu.VMEM((TAIL, D_K), jnp.float32),
            pltpu.VMEM((TAIL,), jnp.int32),
            pltpu.SemaphoreType.DMA,
            pltpu.SemaphoreType.DMA,
            pltpu.VMEM_SHARED((N_PAD_K, D_K), jnp.float32),
        ],
    )
    def sc_kernel(x_hbm, idx_hbm, part_hbm, rows_v, idx_v, rows_t, idx_t,
                  sem0, sem1, acc_sh):
        c = lax.axis_index("c")
        s = lax.axis_index("s")
        wid = c * NS + s
        base = wid * EDGES_PER_TILE

        zvec = jnp.zeros((16,), jnp.float32)

        def zero_row(i):
            for k in range(D_K // 16):
                rows_v[0, i, pl.ds(k * 16, 16)] = zvec

        pl.loop(0, ZROWS)(zero_row)

        def zero_acc(j):
            pltpu.sync_copy(
                rows_v.at[0],
                acc_sh.at[pl.ds(s * ROWS_PER_TILE + j * ZROWS, ZROWS)])

        pl.loop(0, ROWS_PER_TILE // ZROWS)(zero_acc)
        plsc.subcore_barrier()

        sems = (sem0, sem1)

        def start_copy(g, b):
            e0 = base + g * BLK
            pltpu.async_copy(idx_hbm.at[pl.ds(e0, BLK)], idx_v.at[b],
                             sems[b])
            pltpu.async_copy(x_hbm.at[pl.ds(e0, BLK)], rows_v.at[b],
                             sems[b])

        def wait_copy(g, b):
            e0 = base + g * BLK
            pltpu.make_async_copy(idx_hbm.at[pl.ds(e0, BLK)], idx_v.at[b],
                                  sems[b]).wait()
            pltpu.make_async_copy(x_hbm.at[pl.ds(e0, BLK)], rows_v.at[b],
                                  sems[b]).wait()

        def scatter_block(b):
            pltpu.sync_copy(rows_v.at[b], acc_sh.at[idx_v.at[b]], add=True)

        start_copy(0, 0)

        def body(h):
            g0 = 2 * h
            start_copy(g0 + 1, 1)
            wait_copy(g0, 0)
            scatter_block(0)
            start_copy(g0 + 2, 0)
            wait_copy(g0 + 1, 1)
            scatter_block(1)

        pl.loop(0, (NF - 2) // 2)(body)
        e_t = base + NF * BLK
        start_copy(NF - 1, 1)
        wait_copy(NF - 2, 0)
        scatter_block(0)
        pltpu.async_copy(idx_hbm.at[pl.ds(e_t, TAIL)], idx_t, sem0)
        pltpu.async_copy(x_hbm.at[pl.ds(e_t, TAIL)], rows_t, sem0)
        wait_copy(NF - 1, 1)
        scatter_block(1)
        pltpu.make_async_copy(idx_hbm.at[pl.ds(e_t, TAIL)], idx_t,
                              sem0).wait()
        pltpu.make_async_copy(x_hbm.at[pl.ds(e_t, TAIL)], rows_t,
                              sem0).wait()
        pltpu.sync_copy(rows_t, acc_sh.at[idx_t], add=True)
        plsc.subcore_barrier()

        out_row = c * N_PAD_K + s * ROWS_PER_TILE
        pltpu.sync_copy(acc_sh.at[pl.ds(s * ROWS_PER_TILE, ROWS_PER_TILE)],
                        part_hbm.at[pl.ds(out_row, ROWS_PER_TILE)])

    return sc_kernel(x, index)


def _merge_body(a_ref, b_ref, o_ref):
    o_ref[...] = a_ref[...] + b_ref[...]


def _merge_partials(part):
    blk = 2560
    grid = (N_NODES_K + blk - 1) // blk
    off = N_PAD_K // blk
    return pl.pallas_call(
        _merge_body,
        out_shape=jax.ShapeDtypeStruct((N_NODES_K, D_K), jnp.float32),
        grid=(grid,),
        in_specs=[
            pl.BlockSpec((blk, D_K), lambda i: (i, 0)),
            pl.BlockSpec((blk, D_K), lambda i: (i + off, 0)),
        ],
        out_specs=pl.BlockSpec((blk, D_K), lambda i: (i, 0)),
    )(part, part)


def kernel(x, index):
    part = _sc_partial_sums(x, index)
    return _merge_partials(part)

# --- scband reference (transcript-rebuilt; emitter-appended) ---
"""Pipeline reference for scband-aggregation-18038862643220 (READ-ONLY COPY).

The authoritative reference and input builder live on the scoring server;
editing this copy changes nothing except your own understanding.
"""

import jax, jax.numpy as jnp
import numpy as np

N_EDGES = 320000
D_FEAT = 128
N_NODES = 10000


def setup_inputs(seed: int = 0) -> dict:
    key = jax.random.key(seed)
    k1, k2 = jax.random.split(key)
    x = jax.random.normal(k1, (N_EDGES, D_FEAT), dtype=jnp.float32)
    index = jnp.sort(jax.random.randint(k2, (N_EDGES,), 0, N_NODES, dtype=jnp.int32))
    return {"x": x, "index": index}


def reference(x, index):
    # Aggregation.reduce with reduce_fn=segment_sum along axis -2 (edge dim).
    # index is sorted by destination node (asserted by assert_sorted_index).
    return jax.ops.segment_sum(x, index, num_segments=N_NODES)

if __name__ == "__main__":
    import jax
    _d = setup_inputs()
    print(jax.jit(kernel)(*tuple(_d.values())))

</pallas_src>

<mosaic_0001>
#map = affine_map<(d0, d1) -> (0, 0)>
#map1 = affine_map<(d0, d1) -> (0)>
module attributes {stable_mosaic.version = 14 : i64} {
  func.func @sc_kernel(%arg0: i32, %arg1: i32, %arg2: memref<320000x128xf32, #tpu.memory_space<hbm>>, %arg3: memref<320000xi32, #tpu.memory_space<hbm>>, %arg4: memref<20480x128xf32, #tpu.memory_space<hbm>>, %arg5: memref<2x128x128xf32, #tpu.memory_space<vmem>>, %arg6: memref<2x128xi32, #tpu.memory_space<vmem>>, %arg7: memref<16x128xf32, #tpu.memory_space<vmem>>, %arg8: memref<16xi32, #tpu.memory_space<vmem>>, %arg9: memref<!tpu.dma_semaphore, #tpu.memory_space<semaphore_mem>>, %arg10: memref<!tpu.dma_semaphore, #tpu.memory_space<semaphore_mem>>, %arg11: memref<10240x128xf32, #tpu.memory_space<vmem_shared>>) attributes {dimension_semantics = [#tpu.dimension_semantics<core_parallel>, #tpu.dimension_semantics<subcore_parallel>], iteration_bounds = array<i64: 2, 16>, scalar_prefetch = 0 : i64, scratch_operands = 7 : i64, tpu.core_type = #tpu.core_type<sc_vector_subcore>, window_params = [{transform_indices = #map}, {transform_indices = #map1}, {transform_indices = #map}]} {
    %mul3A = arith.constant 16 : i32
    %mul3A_0 = arith.muli %arg0, %mul3A : i32
    %add3A = arith.addi %mul3A_0, %arg1 : i32
    %mul3A_1 = arith.constant 10000 : i32
    %mul3A_2 = arith.muli %add3A, %mul3A_1 : i32
    %broadcast_in_dim3A = arith.constant 0.000000e+00 : f32
    %broadcast_in_dim3A_3 = vector.broadcast %broadcast_in_dim3A : f32 to vector<16xf32>
    %scan3A = arith.constant 0 : i32
    %scan3A_4 = arith.constant 128 : i32
    %scan3A_5 = arith.addi %scan3A, %scan3A_4 : i32
    %scan3A_6 = arith.constant 1 : i32
    scf.for %scan3A_137 = %scan3A to %scan3A_5 step %scan3A_6  : i32 {
      %mul3A_138 = arith.constant 1 : i32
      %mul3A_139 = arith.muli %scan3A_137, %mul3A_138 : i32
      %add3A_140 = arith.constant 0 : i32
      %add3A_141 = arith.addi %add3A_140, %mul3A_139 : i32
      %swap3A = arith.constant 0 : i32
      %swap3A_142 = arith.index_cast %swap3A : i32 to index
      %swap3A_143 = arith.index_cast %add3A_141 : i32 to index
      %swap3A_144 = arith.constant 0 : index
      %swap3A_145 = tpu.vector_load %arg5[%swap3A_142, %swap3A_143, %swap3A_144] {strides = array<i32>} : memref<2x128x128xf32, #tpu.memory_space<vmem>>, vector<1x1x16xf32>,
      %swap3A_146 = vector.shape_cast %swap3A_145 : vector<1x1x16xf32> to vector<16xf32>
      %swap3A_147 = vector.shape_cast %broadcast_in_dim3A_3 : vector<16xf32> to vector<1x1x16xf32>
      tpu.vector_store %arg5[%swap3A_142, %swap3A_143, %swap3A_144], %swap3A_147 {strides = array<i32>} : memref<2x128x128xf32, #tpu.memory_space<vmem>>, vector<1x1x16xf32>,
      %swap3A_148 = arith.constant 0 : i32
      %swap3A_149 = arith.index_cast %swap3A_148 : i32 to index
      %swap3A_150 = arith.index_cast %add3A_141 : i32 to index
      %swap3A_151 = arith.constant 16 : index
      %swap3A_152 = tpu.vector_load %arg5[%swap3A_149, %swap3A_150, %swap3A_151] {strides = array<i32>} : memref<2x128x128xf32, #tpu.memory_space<vmem>>, vector<1x1x16xf32>,
      %swap3A_153 = vector.shape_cast %swap3A_152 : vector<1x1x16xf32> to vector<16xf32>
      %swap3A_154 = vector.shape_cast %broadcast_in_dim3A_3 : vector<16xf32> to vector<1x1x16xf32>
      tpu.vector_store %arg5[%swap3A_149, %swap3A_150, %swap3A_151], %swap3A_154 {strides = array<i32>} : memref<2x128x128xf32, #tpu.memory_space<vmem>>, vector<1x1x16xf32>,
      %swap3A_155 = arith.constant 0 : i32
      %swap3A_156 = arith.index_cast %swap3A_155 : i32 to index
      %swap3A_157 = arith.index_cast %add3A_141 : i32 to index
      %swap3A_158 = arith.constant 32 : index
      %swap3A_159 = tpu.vector_load %arg5[%swap3A_156, %swap3A_157, %swap3A_158] {strides = array<i32>} : memref<2x128x128xf32, #tpu.memory_space<vmem>>, vector<1x1x16xf32>,
      %swap3A_160 = vector.shape_cast %swap3A_159 : vector<1x1x16xf32> to vector<16xf32>
      %swap3A_161 = vector.shape_cast %broadcast_in_dim3A_3 : vector<16xf32> to vector<1x1x16xf32>
      tpu.vector_store %arg5[%swap3A_156, %swap3A_157, %swap3A_158], %swap3A_161 {strides = array<i32>} : memref<2x128x128xf32, #tpu.memory_space<vmem>>, vector<1x1x16xf32>,
      %swap3A_162 = arith.constant 0 : i32
      %swap3A_163 = arith.index_cast %swap3A_162 : i32 to index
      %swap3A_164 = arith.index_cast %add3A_141 : i32 to index
      %swap3A_165 = arith.constant 48 : index
      %swap3A_166 = tpu.vector_load %arg5[%swap3A_163, %swap3A_164, %swap3A_165] {strides = array<i32>} : memref<2x128x128xf32, #tpu.memory_space<vmem>>, vector<1x1x16xf32>,
      %swap3A_167 = vector.shape_cast %swap3A_166 : vector<1x1x16xf32> to vector<16xf32>
      %swap3A_168 = vector.shape_cast %broadcast_in_dim3A_3 : vector<16xf32> to vector<1x1x16xf32>
      tpu.vector_store %arg5[%swap3A_163, %swap3A_164, %swap3A_165], %swap3A_168 {strides = array<i32>} : memref<2x128x128xf32, #tpu.memory_space<vmem>>, vector<1x1x16xf32>,
      %swap3A_169 = arith.constant 0 : i32
      %swap3A_170 = arith.index_cast %swap3A_169 : i32 to index
      %swap3A_171 = arith.index_cast %add3A_141 : i32 to index
      %swap3A_172 = arith.constant 64 : index
      %swap3A_173 = tpu.vector_load %arg5[%swap3A_170, %swap3A_171, %swap3A_172] {strides = array<i32>} : memref<2x128x128xf32, #tpu.memory_space<vmem>>, vector<1x1x16xf32>,
      %swap3A_174 = vector.shape_cast %swap3A_173 : vector<1x1x16xf32> to vector<16xf32>
      %swap3A_175 = vector.shape_cast %broadcast_in_dim3A_3 : vector<16xf32> to vector<1x1x16xf32>
      tpu.vector_store %arg5[%swap3A_170, %swap3A_171, %swap3A_172], %swap3A_175 {strides = array<i32>} : memref<2x128x128xf32, #tpu.memory_space<vmem>>, vector<1x1x16xf32>,
      %swap3A_176 = arith.constant 0 : i32
      %swap3A_177 = arith.index_cast %swap3A_176 : i32 to index
      %swap3A_178 = arith.index_cast %add3A_141 : i32 to index
      %swap3A_179 = arith.constant 80 : index
      %swap3A_180 = tpu.vector_load %arg5[%swap3A_177, %swap3A_178, %swap3A_179] {strides = array<i32>} : memref<2x128x128xf32, #tpu.memory_space<vmem>>, vector<1x1x16xf32>,
      %swap3A_181 = vector.shape_cast %swap3A_180 : vector<1x1x16xf32> to vector<16xf32>
      %swap3A_182 = vector.shape_cast %broadcast_in_dim3A_3 : vector<16xf32> to vector<1x1x16xf32>
      tpu.vector_store %arg5[%swap3A_177, %swap3A_178, %swap3A_179], %swap3A_182 {strides = array<i32>} : memref<2x128x128xf32, #tpu.memory_space<vmem>>, vector<1x1x16xf32>,
      %swap3A_183 = arith.constant 0 : i32
      %swap3A_184 = arith.index_cast %swap3A_183 : i32 to index
      %swap3A_185 = arith.index_cast %add3A_141 : i32 to index
      %swap3A_186 = arith.constant 96 : index
      %swap3A_187 = tpu.vector_load %arg5[%swap3A_184, %swap3A_185, %swap3A_186] {strides = array<i32>} : memref<2x128x128xf32, #tpu.memory_space<vmem>>, vector<1x1x16xf32>,
      %swap3A_188 = vector.shape_cast %swap3A_187 : vector<1x1x16xf32> to vector<16xf32>
      %swap3A_189 = vector.shape_cast %broadcast_in_dim3A_3 : vector<16xf32> to vector<1x1x16xf32>
      tpu.vector_store %arg5[%swap3A_184, %swap3A_185, %swap3A_186], %swap3A_189 {strides = array<i32>} : memref<2x128x128xf32, #tpu.memory_space<vmem>>, vector<1x1x16xf32>,
      %swap3A_190 = arith.constant 0 : i32
      %swap3A_191 = arith.index_cast %swap3A_190 : i32 to index
      %swap3A_192 = arith.index_cast %add3A_141 : i32 to index
      %swap3A_193 = arith.constant 112 : index
      %swap3A_194 = tpu.vector_load %arg5[%swap3A_191, %swap3A_192, %swap3A_193] {strides = array<i32>} : memref<2x128x128xf32, #tpu.memory_space<vmem>>, vector<1x1x16xf32>,
      %swap3A_195 = vector.shape_cast %swap3A_194 : vector<1x1x16xf32> to vector<16xf32>
      %swap3A_196 = vector.shape_cast %broadcast_in_dim3A_3 : vector<16xf32> to vector<1x1x16xf32>
      tpu.vector_store %arg5[%swap3A_191, %swap3A_192, %swap3A_193], %swap3A_196 {strides = array<i32>} : memref<2x128x128xf32, #tpu.memory_space<vmem>>, vector<1x1x16xf32>,
    }
    %scan3A_7 = arith.constant 128 : i32
    %scan3A_8 = arith.constant 0 : i32
    %scan3A_9 = arith.constant 5 : i32
    %scan3A_10 = arith.addi %scan3A_8, %scan3A_9 : i32
    %scan3A_11 = arith.constant 1 : i32
    scf.for %scan3A_137 = %scan3A_8 to %scan3A_10 step %scan3A_11  : i32 {
      %mul3A_138 = arith.constant 1 : i32
      %mul3A_139 = arith.muli %scan3A_137, %mul3A_138 : i32
      %add3A_140 = arith.constant 0 : i32
      %add3A_141 = arith.addi %add3A_140, %mul3A_139 : i32
      %mul3A_142 = arith.constant 640 : i32
      %mul3A_143 = arith.muli %arg1, %mul3A_142 : i32
      %mul3A_144 = arith.constant 128 : i32
      %mul3A_145 = arith.muli %add3A_141, %mul3A_144 : i32
      %add3A_146 = arith.addi %mul3A_143, %mul3A_145 : i32
      %run_scoped3A_147 = arith.constant 0 : i32
      "tpu.region"() ({
        %run_scoped3A_148 = tpu.sem_alloc : memref<!tpu.dma_semaphore, #tpu.memory_space<semaphore_mem>>
        %dma_start3A_149 = arith.constant 0 : i32
        %dma_start3A_150 = arith.constant 0 : i32
        %dma_start3A_151 = tpu.memref_slice %arg5[%run_scoped3A_147, %dma_start3A_149, %dma_start3A_150] : memref<2x128x128xf32, #tpu.memory_space<vmem>> -> memref<1x128x128xf32, #tpu.memory_space<vmem>>
        %dma_start3A_152 = tpu.memref_squeeze %dma_start3A_151 : memref<1x128x128xf32, #tpu.memory_space<vmem>> -> memref<128x128xf32, #tpu.memory_space<vmem>>
        %dma_start3A_153 = arith.constant 0 : i32
        %dma_start3A_154 = tpu.memref_slice %arg11[%add3A_146, %dma_start3A_153] : memref<10240x128xf32, #tpu.memory_space<vmem_shared>> -> memref<128x128xf32, #tpu.memory_space<vmem_shared>>
        %dma_start3A_155 = arith.constant 0 : i32
        %dma_start3A_156 = tpu.memref_slice %arg11[%add3A_146, %dma_start3A_155] : memref<10240x128xf32, #tpu.memory_space<vmem_shared>> -> memref<128x128xf32, #tpu.memory_space<vmem_shared>>
        %dma_start3A_157 = arith.constant 0 : i32
        %dma_start3A_158 = arith.constant 0 : i32
        %dma_start3A_159 = tpu.memref_slice %arg5[%run_scoped3A_147, %dma_start3A_157, %dma_start3A_158] : memref<2x128x128xf32, #tpu.memory_space<vmem>> -> memref<1x128x128xf32, #tpu.memory_space<vmem>>
        %dma_start3A_160 = tpu.memref_squeeze %dma_start3A_159 : memref<1x128x128xf32, #tpu.memory_space<vmem>> -> memref<128x128xf32, #tpu.memory_space<vmem>>
        tpu.enqueue_dma source(%dma_start3A_160 : memref<128x128xf32, #tpu.memory_space<vmem>>) target(%dma_start3A_156 : memref<128x128xf32, #tpu.memory_space<vmem_shared>>) target_semaphore(%run_scoped3A_148 : memref<!tpu.dma_semaphore, #tpu.memory_space<semaphore_mem>>)
        %dma_wait3A_161 = arith.constant 0 : i32
        %dma_wait3A_162 = arith.constant 0 : i32
        %dma_wait3A_163 = tpu.memref_slice %arg5[%run_scoped3A_147, %dma_wait3A_161, %dma_wait3A_162] : memref<2x128x128xf32, #tpu.memory_space<vmem>> -> memref<1x128x128xf32, #tpu.memory_space<vmem>>
        %dma_wait3A_164 = tpu.memref_squeeze %dma_wait3A_163 : memref<1x128x128xf32, #tpu.memory_space<vmem>> -> memref<128x128xf32, #tpu.memory_space<vmem>>
        %dma_wait3A_165 = arith.constant 0 : i32
        %dma_wait3A_166 = tpu.memref_slice %arg11[%add3A_146, %dma_wait3A_165] : memref<10240x128xf32, #tpu.memory_space<vmem_shared>> -> memref<128x128xf32, #tpu.memory_space<vmem_shared>>
        %dma_wait3A_167 = arith.constant 0 : i32
        %dma_wait3A_168 = tpu.memref_slice %arg11[%add3A_146, %dma_wait3A_167] : memref<10240x128xf32, #tpu.memory_space<vmem_shared>> -> memref<128x128xf32, #tpu.memory_space<vmem_shared>>
        %dma_wait3A_169 = arith.constant 0 : i32
        %dma_wait3A_170 = arith.constant 0 : i32
        %dma_wait3A_171 = tpu.memref_slice %arg5[%run_scoped3A_147, %dma_wait3A_169, %dma_wait3A_170] : memref<2x128x128xf32, #tpu.memory_space<vmem>> -> memref<1x128x128xf32, #tpu.memory_space<vmem>>
        %dma_wait3A_172 = tpu.memref_squeeze %dma_wait3A_171 : memref<1x128x128xf32, #tpu.memory_space<vmem>> -> memref<128x128xf32, #tpu.memory_space<vmem>>
        tpu.wait_dma2 semaphore(%run_scoped3A_148 : memref<!tpu.dma_semaphore, #tpu.memory_space<semaphore_mem>>) src(%dma_wait3A_172 : memref<128x128xf32, #tpu.memory_space<vmem>>) dst(%dma_wait3A_168 : memref<128x128xf32, #tpu.memory_space<vmem_shared>>)
        tpu.yield
      }) : () -> ()
    }
    %scan3A_12 = arith.constant 5 : i32
    %barrier3A = arith.constant 0 : index
    tpu.barrier barrier_id(%barrier3A)
    %add3A_13 = arith.constant 0 : i32
    %add3A_14 = arith.addi %mul3A_2, %add3A_13 : i32
    %dma_start3A = arith.constant 0 : i32
    %dma_start3A_15 = arith.constant 0 : i32
    %dma_start3A_16 = tpu.memref_slice %arg6[%dma_start3A, %dma_start3A_15] : memref<2x128xi32, #tpu.memory_space<vmem>> -> memref<1x128xi32, #tpu.memory_space<vmem>>
    %dma_start3A_17 = tpu.memref_squeeze %dma_start3A_16 : memref<1x128xi32, #tpu.memory_space<vmem>> -> memref<128xi32, #tpu.memory_space<vmem>>
    %dma_start3A_18 = tpu.memref_slice %arg3[%add3A_14] : memref<320000xi32, #tpu.memory_space<hbm>> -> memref<128xi32, #tpu.memory_space<hbm>>
    %dma_start3A_19 = arith.constant 0 : i32
    %dma_start3A_20 = tpu.memref_slice %arg6[%dma_start3A, %dma_start3A_19] : memref<2x128xi32, #tpu.memory_space<vmem>> -> memref<1x128xi32, #tpu.memory_space<vmem>>
    %dma_start3A_21 = tpu.memref_squeeze %dma_start3A_20 : memref<1x128xi32, #tpu.memory_space<vmem>> -> memref<128xi32, #tpu.memory_space<vmem>>
    %dma_start3A_22 = tpu.memref_slice %arg3[%add3A_14] : memref<320000xi32, #tpu.memory_space<hbm>> -> memref<128xi32, #tpu.memory_space<hbm>>
    tpu.enqueue_dma source(%dma_start3A_22 : memref<128xi32, #tpu.memory_space<hbm>>) target(%dma_start3A_21 : memref<128xi32, #tpu.memory_space<vmem>>) target_semaphore(%arg9 : memref<!tpu.dma_semaphore, #tpu.memory_space<semaphore_mem>>)
    %dma_start3A_23 = arith.constant 0 : i32
    %dma_start3A_24 = arith.constant 0 : i32
    %dma_start3A_25 = arith.constant 0 : i32
    %dma_start3A_26 = tpu.memref_slice %arg5[%dma_start3A_23, %dma_start3A_24, %dma_start3A_25] : memref<2x128x128xf32, #tpu.memory_space<vmem>> -> memref<1x128x128xf32, #tpu.memory_space<vmem>>
    %dma_start3A_27 = tpu.memref_squeeze %dma_start3A_26 : memref<1x128x128xf32, #tpu.memory_space<vmem>> -> memref<128x128xf32, #tpu.memory_space<vmem>>
    %dma_start3A_28 = arith.constant 0 : i32
    %dma_start3A_29 = tpu.memref_slice %arg2[%add3A_14, %dma_start3A_28] : memref<320000x128xf32, #tpu.memory_space<hbm>> -> memref<128x128xf32, #tpu.memory_space<hbm>>
    %dma_start3A_30 = arith.constant 0 : i32
    %dma_start3A_31 = arith.constant 0 : i32
    %dma_start3A_32 = tpu.memref_slice %arg5[%dma_start3A_23, %dma_start3A_30, %dma_start3A_31] : memref<2x128x128xf32, #tpu.memory_space<vmem>> -> memref<1x128x128xf32, #tpu.memory_space<vmem>>
    %dma_start3A_33 = tpu.memref_squeeze %dma_start3A_32 : memref<1x128x128xf32, #tpu.memory_space<vmem>> -> memref<128x128xf32, #tpu.memory_space<vmem>>
    %dma_start3A_34 = arith.constant 0 : i32
    %dma_start3A_35 = tpu.memref_slice %arg2[%add3A_14, %dma_start3A_34] : memref<320000x128xf32, #tpu.memory_space<hbm>> -> memref<128x128xf32, #tpu.memory_space<hbm>>
    tpu.enqueue_dma source(%dma_start3A_35 : memref<128x128xf32, #tpu.memory_space<hbm>>) target(%dma_start3A_33 : memref<128x128xf32, #tpu.memory_space<vmem>>) target_semaphore(%arg9 : memref<!tpu.dma_semaphore, #tpu.memory_space<semaphore_mem>>)
    %scan3A_36 = arith.constant 0 : i32
    %scan3A_37 = arith.constant 38 : i32
    %scan3A_38 = arith.addi %scan3A_36, %scan3A_37 : i32
    %scan3A_39 = arith.constant 1 : i32
    scf.for %scan3A_137 = %scan3A_36 to %scan3A_38 step %scan3A_39  : i32 {
      %mul3A_138 = arith.constant 1 : i32
      %mul3A_139 = arith.muli %scan3A_137, %mul3A_138 : i32
      %add3A_140 = arith.constant 0 : i32
      %add3A_141 = arith.addi %add3A_140, %mul3A_139 : i32
      %mul3A_142 = arith.constant 2 : i32
      %mul3A_143 = arith.muli %mul3A_142, %add3A_141 : i32
      %add3A_144 = arith.constant 1 : i32
      %add3A_145 = arith.addi %mul3A_143, %add3A_144 : i32
      %mul3A_146 = arith.constant 128 : i32
      %mul3A_147 = arith.muli %add3A_145, %mul3A_146 : i32
      %add3A_148 = arith.addi %mul3A_2, %mul3A_147 : i32
      %dma_start3A_149 = arith.constant 1 : i32
      %dma_start3A_150 = arith.constant 0 : i32
      %dma_start3A_151 = tpu.memref_slice %arg6[%dma_start3A_149, %dma_start3A_150] : memref<2x128xi32, #tpu.memory_space<vmem>> -> memref<1x128xi32, #tpu.memory_space<vmem>>
      %dma_start3A_152 = tpu.memref_squeeze %dma_start3A_151 : memref<1x128xi32, #tpu.memory_space<vmem>> -> memref<128xi32, #tpu.memory_space<vmem>>
      %dma_start3A_153 = tpu.memref_slice %arg3[%add3A_148] : memref<320000xi32, #tpu.memory_space<hbm>> -> memref<128xi32, #tpu.memory_space<hbm>>
      %dma_start3A_154 = arith.constant 0 : i32
      %dma_start3A_155 = tpu.memref_slice %arg6[%dma_start3A_149, %dma_start3A_154] : memref<2x128xi32, #tpu.memory_space<vmem>> -> memref<1x128xi32, #tpu.memory_space<vmem>>
      %dma_start3A_156 = tpu.memref_squeeze %dma_start3A_155 : memref<1x128xi32, #tpu.memory_space<vmem>> -> memref<128xi32, #tpu.memory_space<vmem>>
      %dma_start3A_157 = tpu.memref_slice %arg3[%add3A_148] : memref<320000xi32, #tpu.memory_space<hbm>> -> memref<128xi32, #tpu.memory_space<hbm>>
      tpu.enqueue_dma source(%dma_start3A_157 : memref<128xi32, #tpu.memory_space<hbm>>) target(%dma_start3A_156 : memref<128xi32, #tpu.memory_space<vmem>>) target_semaphore(%arg10 : memref<!tpu.dma_semaphore, #tpu.memory_space<semaphore_mem>>)
      %dma_start3A_158 = arith.constant 1 : i32
      %dma_start3A_159 = arith.constant 0 : i32
      %dma_start3A_160 = arith.constant 0 : i32
      %dma_start3A_161 = tpu.memref_slice %arg5[%dma_start3A_158, %dma_start3A_159, %dma_start3A_160] : memref<2x128x128xf32, #tpu.memory_space<vmem>> -> memref<1x128x128xf32, #tpu.memory_space<vmem>>
      %dma_start3A_162 = tpu.memref_squeeze %dma_start3A_161 : memref<1x128x128xf32, #tpu.memory_space<vmem>> -> memref<128x128xf32, #tpu.memory_space<vmem>>
      %dma_start3A_163 = arith.constant 0 : i32
      %dma_start3A_164 = tpu.memref_slice %arg2[%add3A_148, %dma_start3A_163] : memref<320000x128xf32, #tpu.memory_space<hbm>> -> memref<128x128xf32, #tpu.memory_space<hbm>>
      %dma_start3A_165 = arith.constant 0 : i32
      %dma_start3A_166 = arith.constant 0 : i32
      %dma_start3A_167 = tpu.memref_slice %arg5[%dma_start3A_158, %dma_start3A_165, %dma_start3A_166] : memref<2x128x128xf32, #tpu.memory_space<vmem>> -> memref<1x128x128xf32, #tpu.memory_space<vmem>>
      %dma_start3A_168 = tpu.memref_squeeze %dma_start3A_167 : memref<1x128x128xf32, #tpu.memory_space<vmem>> -> memref<128x128xf32, #tpu.memory_space<vmem>>
      %dma_start3A_169 = arith.constant 0 : i32
      %dma_start3A_170 = tpu.memref_slice %arg2[%add3A_148, %dma_start3A_169] : memref<320000x128xf32, #tpu.memory_space<hbm>> -> memref<128x128xf32, #tpu.memory_space<hbm>>
      tpu.enqueue_dma source(%dma_start3A_170 : memref<128x128xf32, #tpu.memory_space<hbm>>) target(%dma_start3A_168 : memref<128x128xf32, #tpu.memory_space<vmem>>) target_semaphore(%arg10 : memref<!tpu.dma_semaphore, #tpu.memory_space<semaphore_mem>>)
      %mul3A_171 = arith.constant 128 : i32
      %mul3A_172 = arith.muli %mul3A_143, %mul3A_171 : i32
      %add3A_173 = arith.addi %mul3A_2, %mul3A_172 : i32
      %dma_wait3A_174 = arith.constant 0 : i32
      %dma_wait3A_175 = arith.constant 0 : i32
      %dma_wait3A_176 = tpu.memref_slice %arg6[%dma_wait3A_174, %dma_wait3A_175] : memref<2x128xi32, #tpu.memory_space<vmem>> -> memref<1x128xi32, #tpu.memory_space<vmem>>
      %dma_wait3A_177 = tpu.memref_squeeze %dma_wait3A_176 : memref<1x128xi32, #tpu.memory_space<vmem>> -> memref<128xi32, #tpu.memory_space<vmem>>
      %dma_wait3A_178 = tpu.memref_slice %arg3[%add3A_173] : memref<320000xi32, #tpu.memory_space<hbm>> -> memref<128xi32, #tpu.memory_space<hbm>>
      %dma_wait3A_179 = arith.constant 0 : i32
      %dma_wait3A_180 = tpu.memref_slice %arg6[%dma_wait3A_174, %dma_wait3A_179] : memref<2x128xi32, #tpu.memory_space<vmem>> -> memref<1x128xi32, #tpu.memory_space<vmem>>
      %dma_wait3A_181 = tpu.memref_squeeze %dma_wait3A_180 : memref<1x128xi32, #tpu.memory_space<vmem>> -> memref<128xi32, #tpu.memory_space<vmem>>
      %dma_wait3A_182 = tpu.memref_slice %arg3[%add3A_173] : memref<320000xi32, #tpu.memory_space<hbm>> -> memref<128xi32, #tpu.memory_space<hbm>>
      tpu.wait_dma2 semaphore(%arg9 : memref<!tpu.dma_semaphore, #tpu.memory_space<semaphore_mem>>) src(%dma_wait3A_182 : memref<128xi32, #tpu.memory_space<hbm>>) dst(%dma_wait3A_181 : memref<128xi32, #tpu.memory_space<vmem>>)
      %dma_wait3A_183 = arith.constant 0 : i32
      %dma_wait3A_184 = arith.constant 0 : i32
      %dma_wait3A_185 = arith.constant 0 : i32
      %dma_wait3A_186 = tpu.memref_slice %arg5[%dma_wait3A_183, %dma_wait3A_184, %dma_wait3A_185] : memref<2x128x128xf32, #tpu.memory_space<vmem>> -> memref<1x128x128xf32, #tpu.memory_space<vmem>>
      %dma_wait3A_187 = tpu.memref_squeeze %dma_wait3A_186 : memref<1x128x128xf32, #tpu.memory_space<vmem>> -> memref<128x128xf32, #tpu.memory_space<vmem>>
      %dma_wait3A_188 = arith.constant 0 : i32
      %dma_wait3A_189 = tpu.memref_slice %arg2[%add3A_173, %dma_wait3A_188] : memref<320000x128xf32, #tpu.memory_space<hbm>> -> memref<128x128xf32, #tpu.memory_space<hbm>>
      %dma_wait3A_190 = arith.constant 0 : i32
      %dma_wait3A_191 = arith.constant 0 : i32
      %dma_wait3A_192 = tpu.memref_slice %arg5[%dma_wait3A_183, %dma_wait3A_190, %dma_wait3A_191] : memref<2x128x128xf32, #tpu.memory_space<vmem>> -> memref<1x128x128xf32, #tpu.memory_space<vmem>>
      %dma_wait3A_193 = tpu.memref_squeeze %dma_wait3A_192 : memref<1x128x128xf32, #tpu.memory_space<vmem>> -> memref<128x128xf32, #tpu.memory_space<vmem>>
      %dma_wait3A_194 = arith.constant 0 : i32
      %dma_wait3A_195 = tpu.memref_slice %arg2[%add3A_173, %dma_wait3A_194] : memref<320000x128xf32, #tpu.memory_space<hbm>> -> memref<128x128xf32, #tpu.memory_space<hbm>>
      tpu.wait_dma2 semaphore(%arg9 : memref<!tpu.dma_semaphore, #tpu.memory_space<semaphore_mem>>) src(%dma_wait3A_195 : memref<128x128xf32, #tpu.memory_space<hbm>>) dst(%dma_wait3A_193 : memref<128x128xf32, #tpu.memory_space<vmem>>)
      %run_scoped3A_196 = arith.constant 0 : i32
      %run_scoped3A_197 = arith.constant 0 : i32
      "tpu.region"() ({
        %run_scoped3A_254 = tpu.sem_alloc : memref<!tpu.dma_semaphore, #tpu.memory_space<semaphore_mem>>
        %dma_start3A_255 = arith.constant 0 : i32
        %dma_start3A_256 = arith.constant 0 : i32
        %dma_start3A_257 = tpu.memref_slice %arg5[%run_scoped3A_196, %dma_start3A_255, %dma_start3A_256] : memref<2x128x128xf32, #tpu.memory_space<vmem>> -> memref<1x128x128xf32, #tpu.memory_space<vmem>>
        %dma_start3A_258 = tpu.memref_squeeze %dma_start3A_257 : memref<1x128x128xf32, #tpu.memory_space<vmem>> -> memref<128x128xf32, #tpu.memory_space<vmem>>
        %dma_start3A_259 = arith.constant 0 : i32
        %dma_start3A_260 = tpu.memref_slice %arg6[%run_scoped3A_197, %dma_start3A_259] : memref<2x128xi32, #tpu.memory_space<vmem>> -> memref<1x128xi32, #tpu.memory_space<vmem>>
        %dma_start3A_261 = tpu.memref_squeeze %dma_start3A_260 : memref<1x128xi32, #tpu.memory_space<vmem>> -> memref<128xi32, #tpu.memory_space<vmem>>
        %dma_start3A_262 = arith.constant 0 : i32
        %dma_start3A_263 = arith.constant 0 : i32
        %dma_start3A_264 = tpu.memref_slice %arg11[%dma_start3A_262, %dma_start3A_263] : memref<10240x128xf32, #tpu.memory_space<vmem_shared>> -> memref<10240x128xf32, #tpu.memory_space<vmem_shared>>
        tpu.enqueue_indirect_dma source(%dma_start3A_258 : memref<128x128xf32, #tpu.memory_space<vmem>>) target(%dma_start3A_264 : memref<10240x128xf32, #tpu.memory_space<vmem_shared>>) offsets(%dma_start3A_261 : memref<128xi32, #tpu.memory_space<vmem>>) semaphore(%run_scoped3A_254 : memref<!tpu.dma_semaphore, #tpu.memory_space<semaphore_mem>>) {add = true}
        %dma_wait3A_265 = arith.constant 0 : i32
        %dma_wait3A_266 = arith.constant 0 : i32
        %dma_wait3A_267 = tpu.memref_slice %arg5[%run_scoped3A_196, %dma_wait3A_265, %dma_wait3A_266] : memref<2x128x128xf32, #tpu.memory_space<vmem>> -> memref<1x128x128xf32, #tpu.memory_space<vmem>>
        %dma_wait3A_268 = tpu.memref_squeeze %dma_wait3A_267 : memref<1x128x128xf32, #tpu.memory_space<vmem>> -> memref<128x128xf32, #tpu.memory_space<vmem>>
        %dma_wait3A_269 = arith.constant 0 : i32
        %dma_wait3A_270 = tpu.memref_slice %arg6[%run_scoped3A_197, %dma_wait3A_269] : memref<2x128xi32, #tpu.memory_space<vmem>> -> memref<1x128xi32, #tpu.memory_space<vmem>>
        %dma_wait3A_271 = tpu.memref_squeeze %dma_wait3A_270 : memref<1x128xi32, #tpu.memory_space<vmem>> -> memref<128xi32, #tpu.memory_space<vmem>>
        %dma_wait3A_272 = arith.constant 0 : i32
        %dma_wait3A_273 = arith.constant 0 : i32
        %dma_wait3A_274 = tpu.memref_slice %arg11[%dma_wait3A_272, %dma_wait3A_273] : memref<10240x128xf32, #tpu.memory_space<vmem_shared>> -> memref<10240x128xf32, #tpu.memory_space<vmem_shared>>
        tpu.wait_indirect_dma semaphore(%run_scoped3A_254 : memref<!tpu.dma_semaphore, #tpu.memory_space<semaphore_mem>>) src(%dma_wait3A_268 : memref<128x128xf32, #tpu.memory_space<vmem>>) dst(%dma_wait3A_274 : memref<10240x128xf32, #tpu.memory_space<vmem_shared>>)
        tpu.yield
      }) : () -> ()
      %add3A_198 = arith.constant 2 : i32
      %add3A_199 = arith.addi %mul3A_143, %add3A_198 : i32
      %mul3A_200 = arith.constant 128 : i32
      %mul3A_201 = arith.muli %add3A_199, %mul3A_200 : i32
      %add3A_202 = arith.addi %mul3A_2, %mul3A_201 : i32
      %dma_start3A_203 = arith.constant 0 : i32
      %dma_start3A_204 = arith.constant 0 : i32
      %dma_start3A_205 = tpu.memref_slice %arg6[%dma_start3A_203, %dma_start3A_204] : memref<2x128xi32, #tpu.memory_space<vmem>> -> memref<1x128xi32, #tpu.memory_space<vmem>>
      %dma_start3A_206 = tpu.memref_squeeze %dma_start3A_205 : memref<1x128xi32, #tpu.memory_space<vmem>> -> memref<128xi32, #tpu.memory_space<vmem>>
      %dma_start3A_207 = tpu.memref_slice %arg3[%add3A_202] : memref<320000xi32, #tpu.memory_space<hbm>> -> memref<128xi32, #tpu.memory_space<hbm>>
      %dma_start3A_208 = arith.constant 0 : i32
      %dma_start3A_209 = tpu.memref_slice %arg6[%dma_start3A_203, %dma_start3A_208] : memref<2x128xi32, #tpu.memory_space<vmem>> -> memref<1x128xi32, #tpu.memory_space<vmem>>
      %dma_start3A_210 = tpu.memref_squeeze %dma_start3A_209 : memref<1x128xi32, #tpu.memory_space<vmem>> -> memref<128xi32, #tpu.memory_space<vmem>>
      %dma_start3A_211 = tpu.memref_slice %arg3[%add3A_202] : memref<320000xi32, #tpu.memory_space<hbm>> -> memref<128xi32, #tpu.memory_space<hbm>>
      tpu.enqueue_dma source(%dma_start3A_211 : memref<128xi32, #tpu.memory_space<hbm>>) target(%dma_start3A_210 : memref<128xi32, #tpu.memory_space<vmem>>) target_semaphore(%arg9 : memref<!tpu.dma_semaphore, #tpu.memory_space<semaphore_mem>>)
      %dma_start3A_212 = arith.constant 0 : i32
      %dma_start3A_213 = arith.constant 0 : i32
      %dma_start3A_214 = arith.constant 0 : i32
      %dma_start3A_215 = tpu.memref_slice %arg5[%dma_start3A_212, %dma_start3A_213, %dma_start3A_214] : memref<2x128x128xf32, #tpu.memory_space<vmem>> -> memref<1x128x128xf32, #tpu.memory_space<vmem>>
      %dma_start3A_216 = tpu.memref_squeeze %dma_start3A_215 : memref<1x128x128xf32, #tpu.memory_space<vmem>> -> memref<128x128xf32, #tpu.memory_space<vmem>>
      %dma_start3A_217 = arith.constant 0 : i32
      %dma_start3A_218 = tpu.memref_slice %arg2[%add3A_202, %dma_start3A_217] : memref<320000x128xf32, #tpu.memory_space<hbm>> -> memref<128x128xf32, #tpu.memory_space<hbm>>
      %dma_start3A_219 = arith.constant 0 : i32
      %dma_start3A_220 = arith.constant 0 : i32
      %dma_start3A_221 = tpu.memref_slice %arg5[%dma_start3A_212, %dma_start3A_219, %dma_start3A_220] : memref<2x128x128xf32, #tpu.memory_space<vmem>> -> memref<1x128x128xf32, #tpu.memory_space<vmem>>
      %dma_start3A_222 = tpu.memref_squeeze %dma_start3A_221 : memref<1x128x128xf32, #tpu.memory_space<vmem>> -> memref<128x128xf32, #tpu.memory_space<vmem>>
      %dma_start3A_223 = arith.constant 0 : i32
      %dma_start3A_224 = tpu.memref_slice %arg2[%add3A_202, %dma_start3A_223] : memref<320000x128xf32, #tpu.memory_space<hbm>> -> memref<128x128xf32, #tpu.memory_space<hbm>>
      tpu.enqueue_dma source(%dma_start3A_224 : memref<128x128xf32, #tpu.memory_space<hbm>>) target(%dma_start3A_222 : memref<128x128xf32, #tpu.memory_space<vmem>>) target_semaphore(%arg9 : memref<!tpu.dma_semaphore, #tpu.memory_space<semaphore_mem>>)
      %add3A_225 = arith.constant 1 : i32
      %add3A_226 = arith.addi %mul3A_143, %add3A_225 : i32
      %mul3A_227 = arith.constant 128 : i32
      %mul3A_228 = arith.muli %add3A_226, %mul3A_227 : i32
      %add3A_229 = arith.addi %mul3A_2, %mul3A_228 : i32
      %dma_wait3A_230 = arith.constant 1 : i32
      %dma_wait3A_231 = arith.constant 0 : i32
      %dma_wait3A_232 = tpu.memref_slice %arg6[%dma_wait3A_230, %dma_wait3A_231] : memref<2x128xi32, #tpu.memory_space<vmem>> -> memref<1x128xi32, #tpu.memory_space<vmem>>
      %dma_wait3A_233 = tpu.memref_squeeze %dma_wait3A_232 : memref<1x128xi32, #tpu.memory_space<vmem>> -> memref<128xi32, #tpu.memory_space<vmem>>
      %dma_wait3A_234 = tpu.memref_slice %arg3[%add3A_229] : memref<320000xi32, #tpu.memory_space<hbm>> -> memref<128xi32, #tpu.memory_space<hbm>>
      %dma_wait3A_235 = arith.constant 0 : i32
      %dma_wait3A_236 = tpu.memref_slice %arg6[%dma_wait3A_230, %dma_wait3A_235] : memref<2x128xi32, #tpu.memory_space<vmem>> -> memref<1x128xi32, #tpu.memory_space<vmem>>
      %dma_wait3A_237 = tpu.memref_squeeze %dma_wait3A_236 : memref<1x128xi32, #tpu.memory_space<vmem>> -> memref<128xi32, #tpu.memory_space<vmem>>
      %dma_wait3A_238 = tpu.memref_slice %arg3[%add3A_229] : memref<320000xi32, #tpu.memory_space<hbm>> -> memref<128xi32, #tpu.memory_space<hbm>>
      tpu.wait_dma2 semaphore(%arg10 : memref<!tpu.dma_semaphore, #tpu.memory_space<semaphore_mem>>) src(%dma_wait3A_238 : memref<128xi32, #tpu.memory_space<hbm>>) dst(%dma_wait3A_237 : memref<128xi32, #tpu.memory_space<vmem>>)
      %dma_wait3A_239 = arith.constant 1 : i32
      %dma_wait3A_240 = arith.constant 0 : i32
      %dma_wait3A_241 = arith.constant 0 : i32
      %dma_wait3A_242 = tpu.memref_slice %arg5[%dma_wait3A_239, %dma_wait3A_240, %dma_wait3A_241] : memref<2x128x128xf32, #tpu.memory_space<vmem>> -> memref<1x128x128xf32, #tpu.memory_space<vmem>>
      %dma_wait3A_243 = tpu.memref_squeeze %dma_wait3A_242 : memref<1x128x128xf32, #tpu.memory_space<vmem>> -> memref<128x128xf32, #tpu.memory_space<vmem>>
      %dma_wait3A_244 = arith.constant 0 : i32
      %dma_wait3A_245 = tpu.memref_slice %arg2[%add3A_229, %dma_wait3A_244] : memref<320000x128xf32, #tpu.memory_space<hbm>> -> memref<128x128xf32, #tpu.memory_space<hbm>>
      %dma_wait3A_246 = arith.constant 0 : i32
      %dma_wait3A_247 = arith.constant 0 : i32
      %dma_wait3A_248 = tpu.memref_slice %arg5[%dma_wait3A_239, %dma_wait3A_246, %dma_wait3A_247] : memref<2x128x128xf32, #tpu.memory_space<vmem>> -> memref<1x128x128xf32, #tpu.memory_space<vmem>>
      %dma_wait3A_249 = tpu.memref_squeeze %dma_wait3A_248 : memref<1x128x128xf32, #tpu.memory_space<vmem>> -> memref<128x128xf32, #tpu.memory_space<vmem>>
      %dma_wait3A_250 = arith.constant 0 : i32
      %dma_wait3A_251 = tpu.memref_slice %arg2[%add3A_229, %dma_wait3A_250] : memref<320000x128xf32, #tpu.memory_space<hbm>> -> memref<128x128xf32, #tpu.memory_space<hbm>>
      tpu.wait_dma2 semaphore(%arg10 : memref<!tpu.dma_semaphore, #tpu.memory_space<semaphore_mem>>) src(%dma_wait3A_251 : memref<128x128xf32, #tpu.memory_space<hbm>>) dst(%dma_wait3A_249 : memref<128x128xf32, #tpu.memory_space<vmem>>)
      %run_scoped3A_252 = arith.constant 1 : i32
      %run_scoped3A_253 = arith.constant 1 : i32
      "tpu.region"() ({
        %run_scoped3A_254 = tpu.sem_alloc : memref<!tpu.dma_semaphore, #tpu.memory_space<semaphore_mem>>
        %dma_start3A_255 = arith.constant 0 : i32
        %dma_start3A_256 = arith.constant 0 : i32
        %dma_start3A_257 = tpu.memref_slice %arg5[%run_scoped3A_252, %dma_start3A_255, %dma_start3A_256] : memref<2x128x128xf32, #tpu.memory_space<vmem>> -> memref<1x128x128xf32, #tpu.memory_space<vmem>>
        %dma_start3A_258 = tpu.memref_squeeze %dma_start3A_257 : memref<1x128x128xf32, #tpu.memory_space<vmem>> -> memref<128x128xf32, #tpu.memory_space<vmem>>
        %dma_start3A_259 = arith.constant 0 : i32
        %dma_start3A_260 = tpu.memref_slice %arg6[%run_scoped3A_253, %dma_start3A_259] : memref<2x128xi32, #tpu.memory_space<vmem>> -> memref<1x128xi32, #tpu.memory_space<vmem>>
        %dma_start3A_261 = tpu.memref_squeeze %dma_start3A_260 : memref<1x128xi32, #tpu.memory_space<vmem>> -> memref<128xi32, #tpu.memory_space<vmem>>
        %dma_start3A_262 = arith.constant 0 : i32
        %dma_start3A_263 = arith.constant 0 : i32
        %dma_start3A_264 = tpu.memref_slice %arg11[%dma_start3A_262, %dma_start3A_263] : memref<10240x128xf32, #tpu.memory_space<vmem_shared>> -> memref<10240x128xf32, #tpu.memory_space<vmem_shared>>
        tpu.enqueue_indirect_dma source(%dma_start3A_258 : memref<128x128xf32, #tpu.memory_space<vmem>>) target(%dma_start3A_264 : memref<10240x128xf32, #tpu.memory_space<vmem_shared>>) offsets(%dma_start3A_261 : memref<128xi32, #tpu.memory_space<vmem>>) semaphore(%run_scoped3A_254 : memref<!tpu.dma_semaphore, #tpu.memory_space<semaphore_mem>>) {add = true}
        %dma_wait3A_265 = arith.constant 0 : i32
        %dma_wait3A_266 = arith.constant 0 : i32
        %dma_wait3A_267 = tpu.memref_slice %arg5[%run_scoped3A_252, %dma_wait3A_265, %dma_wait3A_266] : memref<2x128x128xf32, #tpu.memory_space<vmem>> -> memref<1x128x128xf32, #tpu.memory_space<vmem>>
        %dma_wait3A_268 = tpu.memref_squeeze %dma_wait3A_267 : memref<1x128x128xf32, #tpu.memory_space<vmem>> -> memref<128x128xf32, #tpu.memory_space<vmem>>
        %dma_wait3A_269 = arith.constant 0 : i32
        %dma_wait3A_270 = tpu.memref_slice %arg6[%run_scoped3A_253, %dma_wait3A_269] : memref<2x128xi32, #tpu.memory_space<vmem>> -> memref<1x128xi32, #tpu.memory_space<vmem>>
        %dma_wait3A_271 = tpu.memref_squeeze %dma_wait3A_270 : memref<1x128xi32, #tpu.memory_space<vmem>> -> memref<128xi32, #tpu.memory_space<vmem>>
        %dma_wait3A_272 = arith.constant 0 : i32
        %dma_wait3A_273 = arith.constant 0 : i32
        %dma_wait3A_274 = tpu.memref_slice %arg11[%dma_wait3A_272, %dma_wait3A_273] : memref<10240x128xf32, #tpu.memory_space<vmem_shared>> -> memref<10240x128xf32, #tpu.memory_space<vmem_shared>>
        tpu.wait_indirect_dma semaphore(%run_scoped3A_254 : memref<!tpu.dma_semaphore, #tpu.memory_space<semaphore_mem>>) src(%dma_wait3A_268 : memref<128x128xf32, #tpu.memory_space<vmem>>) dst(%dma_wait3A_274 : memref<10240x128xf32, #tpu.memory_space<vmem_shared>>)
        tpu.yield
      }) : () -> ()
    }
    %scan3A_40 = arith.constant 38 : i32
    %add3A_41 = arith.constant 9984 : i32
    %add3A_42 = arith.addi %mul3A_2, %add3A_41 : i32
    %add3A_43 = arith.constant 9856 : i32
    %add3A_44 = arith.addi %mul3A_2, %add3A_43 : i32
    %dma_start3A_45 = arith.constant 1 : i32
    %dma_start3A_46 = arith.constant 0 : i32
    %dma_start3A_47 = tpu.memref_slice %arg6[%dma_start3A_45, %dma_start3A_46] : memref<2x128xi32, #tpu.memory_space<vmem>> -> memref<1x128xi32, #tpu.memory_space<vmem>>
    %dma_start3A_48 = tpu.memref_squeeze %dma_start3A_47 : memref<1x128xi32, #tpu.memory_space<vmem>> -> memref<128xi32, #tpu.memory_space<vmem>>
    %dma_start3A_49 = tpu.memref_slice %arg3[%add3A_44] : memref<320000xi32, #tpu.memory_space<hbm>> -> memref<128xi32, #tpu.memory_space<hbm>>
    %dma_start3A_50 = arith.constant 0 : i32
    %dma_start3A_51 = tpu.memref_slice %arg6[%dma_start3A_45, %dma_start3A_50] : memref<2x128xi32, #tpu.memory_space<vmem>> -> memref<1x128xi32, #tpu.memory_space<vmem>>
    %dma_start3A_52 = tpu.memref_squeeze %dma_start3A_51 : memref<1x128xi32, #tpu.memory_space<vmem>> -> memref<128xi32, #tpu.memory_space<vmem>>
    %dma_start3A_53 = tpu.memref_slice %arg3[%add3A_44] : memref<320000xi32, #tpu.memory_space<hbm>> -> memref<128xi32, #tpu.memory_space<hbm>>
    tpu.enqueue_dma source(%dma_start3A_53 : memref<128xi32, #tpu.memory_space<hbm>>) target(%dma_start3A_52 : memref<128xi32, #tpu.memory_space<vmem>>) target_semaphore(%arg10 : memref<!tpu.dma_semaphore, #tpu.memory_space<semaphore_mem>>)
    %dma_start3A_54 = arith.constant 1 : i32
    %dma_start3A_55 = arith.constant 0 : i32
    %dma_start3A_56 = arith.constant 0 : i32
    %dma_start3A_57 = tpu.memref_slice %arg5[%dma_start3A_54, %dma_start3A_55, %dma_start3A_56] : memref<2x128x128xf32, #tpu.memory_space<vmem>> -> memref<1x128x128xf32, #tpu.memory_space<vmem>>
    %dma_start3A_58 = tpu.memref_squeeze %dma_start3A_57 : memref<1x128x128xf32, #tpu.memory_space<vmem>> -> memref<128x128xf32, #tpu.memory_space<vmem>>
    %dma_start3A_59 = arith.constant 0 : i32
    %dma_start3A_60 = tpu.memref_slice %arg2[%add3A_44, %dma_start3A_59] : memref<320000x128xf32, #tpu.memory_space<hbm>> -> memref<128x128xf32, #tpu.memory_space<hbm>>
    %dma_start3A_61 = arith.constant 0 : i32
    %dma_start3A_62 = arith.constant 0 : i32
    %dma_start3A_63 = tpu.memref_slice %arg5[%dma_start3A_54, %dma_start3A_61, %dma_start3A_62] : memref<2x128x128xf32, #tpu.memory_space<vmem>> -> memref<1x128x128xf32, #tpu.memory_space<vmem>>
    %dma_start3A_64 = tpu.memref_squeeze %dma_start3A_63 : memref<1x128x128xf32, #tpu.memory_space<vmem>> -> memref<128x128xf32, #tpu.memory_space<vmem>>
    %dma_start3A_65 = arith.constant 0 : i32
    %dma_start3A_66 = tpu.memref_slice %arg2[%add3A_44, %dma_start3A_65] : memref<320000x128xf32, #tpu.memory_space<hbm>> -> memref<128x128xf32, #tpu.memory_space<hbm>>
    tpu.enqueue_dma source(%dma_start3A_66 : memref<128x128xf32, #tpu.memory_space<hbm>>) target(%dma_start3A_64 : memref<128x128xf32, #tpu.memory_space<vmem>>) target_semaphore(%arg10 : memref<!tpu.dma_semaphore, #tpu.memory_space<semaphore_mem>>)
    %add3A_67 = arith.constant 9728 : i32
    %add3A_68 = arith.addi %mul3A_2, %add3A_67 : i32
    %dma_wait3A = arith.constant 0 : i32
    %dma_wait3A_69 = arith.constant 0 : i32
    %dma_wait3A_70 = tpu.memref_slice %arg6[%dma_wait3A, %dma_wait3A_69] : memref<2x128xi32, #tpu.memory_space<vmem>> -> memref<1x128xi32, #tpu.memory_space<vmem>>
    %dma_wait3A_71 = tpu.memref_squeeze %dma_wait3A_70 : memref<1x128xi32, #tpu.memory_space<vmem>> -> memref<128xi32, #tpu.memory_space<vmem>>
    %dma_wait3A_72 = tpu.memref_slice %arg3[%add3A_68] : memref<320000xi32, #tpu.memory_space<hbm>> -> memref<128xi32, #tpu.memory_space<hbm>>
    %dma_wait3A_73 = arith.constant 0 : i32
    %dma_wait3A_74 = tpu.memref_slice %arg6[%dma_wait3A, %dma_wait3A_73] : memref<2x128xi32, #tpu.memory_space<vmem>> -> memref<1x128xi32, #tpu.memory_space<vmem>>
    %dma_wait3A_75 = tpu.memref_squeeze %dma_wait3A_74 : memref<1x128xi32, #tpu.memory_space<vmem>> -> memref<128xi32, #tpu.memory_space<vmem>>
    %dma_wait3A_76 = tpu.memref_slice %arg3[%add3A_68] : memref<320000xi32, #tpu.memory_space<hbm>> -> memref<128xi32, #tpu.memory_space<hbm>>
    tpu.wait_dma2 semaphore(%arg9 : memref<!tpu.dma_semaphore, #tpu.memory_space<semaphore_mem>>) src(%dma_wait3A_76 : memref<128xi32, #tpu.memory_space<hbm>>) dst(%dma_wait3A_75 : memref<128xi32, #tpu.memory_space<vmem>>)
    %dma_wait3A_77 = arith.constant 0 : i32
    %dma_wait3A_78 = arith.constant 0 : i32
    %dma_wait3A_79 = arith.constant 0 : i32
    %dma_wait3A_80 = tpu.memref_slice %arg5[%dma_wait3A_77, %dma_wait3A_78, %dma_wait3A_79] : memref<2x128x128xf32, #tpu.memory_space<vmem>> -> memref<1x128x128xf32, #tpu.memory_space<vmem>>
    %dma_wait3A_81 = tpu.memref_squeeze %dma_wait3A_80 : memref<1x128x128xf32, #tpu.memory_space<vmem>> -> memref<128x128xf32, #tpu.memory_space<vmem>>
    %dma_wait3A_82 = arith.constant 0 : i32
    %dma_wait3A_83 = tpu.memref_slice %arg2[%add3A_68, %dma_wait3A_82] : memref<320000x128xf32, #tpu.memory_space<hbm>> -> memref<128x128xf32, #tpu.memory_space<hbm>>
    %dma_wait3A_84 = arith.constant 0 : i32
    %dma_wait3A_85 = arith.constant 0 : i32
    %dma_wait3A_86 = tpu.memref_slice %arg5[%dma_wait3A_77, %dma_wait3A_84, %dma_wait3A_85] : memref<2x128x128xf32, #tpu.memory_space<vmem>> -> memref<1x128x128xf32, #tpu.memory_space<vmem>>
    %dma_wait3A_87 = tpu.memref_squeeze %dma_wait3A_86 : memref<1x128x128xf32, #tpu.memory_space<vmem>> -> memref<128x128xf32, #tpu.memory_space<vmem>>
    %dma_wait3A_88 = arith.constant 0 : i32
    %dma_wait3A_89 = tpu.memref_slice %arg2[%add3A_68, %dma_wait3A_88] : memref<320000x128xf32, #tpu.memory_space<hbm>> -> memref<128x128xf32, #tpu.memory_space<hbm>>
    tpu.wait_dma2 semaphore(%arg9 : memref<!tpu.dma_semaphore, #tpu.memory_space<semaphore_mem>>) src(%dma_wait3A_89 : memref<128x128xf32, #tpu.memory_space<hbm>>) dst(%dma_wait3A_87 : memref<128x128xf32, #tpu.memory_space<vmem>>)
    %run_scoped3A = arith.constant 0 : i32
    %run_scoped3A_90 = arith.constant 0 : i32
    "tpu.region"() ({
      %run_scoped3A_137 = tpu.sem_alloc : memref<!tpu.dma_semaphore, #tpu.memory_space<semaphore_mem>>
      %dma_start3A_138 = arith.constant 0 : i32
      %dma_start3A_139 = arith.constant 0 : i32
      %dma_start3A_140 = tpu.memref_slice %arg5[%run_scoped3A, %dma_start3A_138, %dma_start3A_139] : memref<2x128x128xf32, #tpu.memory_space<vmem>> -> memref<1x128x128xf32, #tpu.memory_space<vmem>>
      %dma_start3A_141 = tpu.memref_squeeze %dma_start3A_140 : memref<1x128x128xf32, #tpu.memory_space<vmem>> -> memref<128x128xf32, #tpu.memory_space<vmem>>
      %dma_start3A_142 = arith.constant 0 : i32
      %dma_start3A_143 = tpu.memref_slice %arg6[%run_scoped3A_90, %dma_start3A_142] : memref<2x128xi32, #tpu.memory_space<vmem>> -> memref<1x128xi32, #tpu.memory_space<vmem>>
      %dma_start3A_144 = tpu.memref_squeeze %dma_start3A_143 : memref<1x128xi32, #tpu.memory_space<vmem>> -> memref<128xi32, #tpu.memory_space<vmem>>
      %dma_start3A_145 = arith.constant 0 : i32
      %dma_start3A_146 = arith.constant 0 : i32
      %dma_start3A_147 = tpu.memref_slice %arg11[%dma_start3A_145, %dma_start3A_146] : memref<10240x128xf32, #tpu.memory_space<vmem_shared>> -> memref<10240x128xf32, #tpu.memory_space<vmem_shared>>
      tpu.enqueue_indirect_dma source(%dma_start3A_141 : memref<128x128xf32, #tpu.memory_space<vmem>>) target(%dma_start3A_147 : memref<10240x128xf32, #tpu.memory_space<vmem_shared>>) offsets(%dma_start3A_144 : memref<128xi32, #tpu.memory_space<vmem>>) semaphore(%run_scoped3A_137 : memref<!tpu.dma_semaphore, #tpu.memory_space<semaphore_mem>>) {add = true}
      %dma_wait3A_148 = arith.constant 0 : i32
      %dma_wait3A_149 = arith.constant 0 : i32
      %dma_wait3A_150 = tpu.memref_slice %arg5[%run_scoped3A, %dma_wait3A_148, %dma_wait3A_149] : memref<2x128x128xf32, #tpu.memory_space<vmem>> -> memref<1x128x128xf32, #tpu.memory_space<vmem>>
      %dma_wait3A_151 = tpu.memref_squeeze %dma_wait3A_150 : memref<1x128x128xf32, #tpu.memory_space<vmem>> -> memref<128x128xf32, #tpu.memory_space<vmem>>
      %dma_wait3A_152 = arith.constant 0 : i32
      %dma_wait3A_153 = tpu.memref_slice %arg6[%run_scoped3A_90, %dma_wait3A_152] : memref<2x128xi32, #tpu.memory_space<vmem>> -> memref<1x128xi32, #tpu.memory_space<vmem>>
      %dma_wait3A_154 = tpu.memref_squeeze %dma_wait3A_153 : memref<1x128xi32, #tpu.memory_space<vmem>> -> memref<128xi32, #tpu.memory_space<vmem>>
      %dma_wait3A_155 = arith.constant 0 : i32
      %dma_wait3A_156 = arith.constant 0 : i32
      %dma_wait3A_157 = tpu.memref_slice %arg11[%dma_wait3A_155, %dma_wait3A_156] : memref<10240x128xf32, #tpu.memory_space<vmem_shared>> -> memref<10240x128xf32, #tpu.memory_space<vmem_shared>>
      tpu.wait_indirect_dma semaphore(%run_scoped3A_137 : memref<!tpu.dma_semaphore, #tpu.memory_space<semaphore_mem>>) src(%dma_wait3A_151 : memref<128x128xf32, #tpu.memory_space<vmem>>) dst(%dma_wait3A_157 : memref<10240x128xf32, #tpu.memory_space<vmem_shared>>)
      tpu.yield
    }) : () -> ()
    %dma_start3A_91 = tpu.memref_slice %arg3[%add3A_42] : memref<320000xi32, #tpu.memory_space<hbm>> -> memref<16xi32, #tpu.memory_space<hbm>>
    %dma_start3A_92 = tpu.memref_slice %arg3[%add3A_42] : memref<320000xi32, #tpu.memory_space<hbm>> -> memref<16xi32, #tpu.memory_space<hbm>>
    tpu.enqueue_dma source(%dma_start3A_92 : memref<16xi32, #tpu.memory_space<hbm>>) target(%arg8 : memref<16xi32, #tpu.memory_space<vmem>>) target_semaphore(%arg9 : memref<!tpu.dma_semaphore, #tpu.memory_space<semaphore_mem>>)
    %dma_start3A_93 = arith.constant 0 : i32
    %dma_start3A_94 = tpu.memref_slice %arg2[%add3A_42, %dma_start3A_93] : memref<320000x128xf32, #tpu.memory_space<hbm>> -> memref<16x128xf32, #tpu.memory_space<hbm>>
    %dma_start3A_95 = arith.constant 0 : i32
    %dma_start3A_96 = tpu.memref_slice %arg2[%add3A_42, %dma_start3A_95] : memref<320000x128xf32, #tpu.memory_space<hbm>> -> memref<16x128xf32, #tpu.memory_space<hbm>>
    tpu.enqueue_dma source(%dma_start3A_96 : memref<16x128xf32, #tpu.memory_space<hbm>>) target(%arg7 : memref<16x128xf32, #tpu.memory_space<vmem>>) target_semaphore(%arg9 : memref<!tpu.dma_semaphore, #tpu.memory_space<semaphore_mem>>)
    %add3A_97 = arith.constant 9856 : i32
    %add3A_98 = arith.addi %mul3A_2, %add3A_97 : i32
    %dma_wait3A_99 = arith.constant 1 : i32
    %dma_wait3A_100 = arith.constant 0 : i32
    %dma_wait3A_101 = tpu.memref_slice %arg6[%dma_wait3A_99, %dma_wait3A_100] : memref<2x128xi32, #tpu.memory_space<vmem>> -> memref<1x128xi32, #tpu.memory_space<vmem>>
    %dma_wait3A_102 = tpu.memref_squeeze %dma_wait3A_101 : memref<1x128xi32, #tpu.memory_space<vmem>> -> memref<128xi32, #tpu.memory_space<vmem>>
    %dma_wait3A_103 = tpu.memref_slice %arg3[%add3A_98] : memref<320000xi32, #tpu.memory_space<hbm>> -> memref<128xi32, #tpu.memory_space<hbm>>
    %dma_wait3A_104 = arith.constant 0 : i32
    %dma_wait3A_105 = tpu.memref_slice %arg6[%dma_wait3A_99, %dma_wait3A_104] : memref<2x128xi32, #tpu.memory_space<vmem>> -> memref<1x128xi32, #tpu.memory_space<vmem>>
    %dma_wait3A_106 = tpu.memref_squeeze %dma_wait3A_105 : memref<1x128xi32, #tpu.memory_space<vmem>> -> memref<128xi32, #tpu.memory_space<vmem>>
    %dma_wait3A_107 = tpu.memref_slice %arg3[%add3A_98] : memref<320000xi32, #tpu.memory_space<hbm>> -> memref<128xi32, #tpu.memory_space<hbm>>
    tpu.wait_dma2 semaphore(%arg10 : memref<!tpu.dma_semaphore, #tpu.memory_space<semaphore_mem>>) src(%dma_wait3A_107 : memref<128xi32, #tpu.memory_space<hbm>>) dst(%dma_wait3A_106 : memref<128xi32, #tpu.memory_space<vmem>>)
    %dma_wait3A_108 = arith.constant 1 : i32
    %dma_wait3A_109 = arith.constant 0 : i32
    %dma_wait3A_110 = arith.constant 0 : i32
    %dma_wait3A_111 = tpu.memref_slice %arg5[%dma_wait3A_108, %dma_wait3A_109, %dma_wait3A_110] : memref<2x128x128xf32, #tpu.memory_space<vmem>> -> memref<1x128x128xf32, #tpu.memory_space<vmem>>
    %dma_wait3A_112 = tpu.memref_squeeze %dma_wait3A_111 : memref<1x128x128xf32, #tpu.memory_space<vmem>> -> memref<128x128xf32, #tpu.memory_space<vmem>>
    %dma_wait3A_113 = arith.constant 0 : i32
    %dma_wait3A_114 = tpu.memref_slice %arg2[%add3A_98, %dma_wait3A_113] : memref<320000x128xf32, #tpu.memory_space<hbm>> -> memref<128x128xf32, #tpu.memory_space<hbm>>
    %dma_wait3A_115 = arith.constant 0 : i32
    %dma_wait3A_116 = arith.constant 0 : i32
    %dma_wait3A_117 = tpu.memref_slice %arg5[%dma_wait3A_108, %dma_wait3A_115, %dma_wait3A_116] : memref<2x128x128xf32, #tpu.memory_space<vmem>> -> memref<1x128x128xf32, #tpu.memory_space<vmem>>
    %dma_wait3A_118 = tpu.memref_squeeze %dma_wait3A_117 : memref<1x128x128xf32, #tpu.memory_space<vmem>> -> memref<128x128xf32, #tpu.memory_space<vmem>>
    %dma_wait3A_119 = arith.constant 0 : i32
    %dma_wait3A_120 = tpu.memref_slice %arg2[%add3A_98, %dma_wait3A_119] : memref<320000x128xf32, #tpu.memory_space<hbm>> -> memref<128x128xf32, #tpu.memory_space<hbm>>
    tpu.wait_dma2 semaphore(%arg10 : memref<!tpu.dma_semaphore, #tpu.memory_space<semaphore_mem>>) src(%dma_wait3A_120 : memref<128x128xf32, #tpu.memory_space<hbm>>) dst(%dma_wait3A_118 : memref<128x128xf32, #tpu.memory_space<vmem>>)
    %run_scoped3A_121 = arith.constant 1 : i32
    %run_scoped3A_122 = arith.constant 1 : i32
    "tpu.region"() ({
      %run_scoped3A_137 = tpu.sem_alloc : memref<!tpu.dma_semaphore, #tpu.memory_space<semaphore_mem>>
      %dma_start3A_138 = arith.constant 0 : i32
      %dma_start3A_139 = arith.constant 0 : i32
      %dma_start3A_140 = tpu.memref_slice %arg5[%run_scoped3A_121, %dma_start3A_138, %dma_start3A_139] : memref<2x128x128xf32, #tpu.memory_space<vmem>> -> memref<1x128x128xf32, #tpu.memory_space<vmem>>
      %dma_start3A_141 = tpu.memref_squeeze %dma_start3A_140 : memref<1x128x128xf32, #tpu.memory_space<vmem>> -> memref<128x128xf32, #tpu.memory_space<vmem>>
      %dma_start3A_142 = arith.constant 0 : i32
      %dma_start3A_143 = tpu.memref_slice %arg6[%run_scoped3A_122, %dma_start3A_142] : memref<2x128xi32, #tpu.memory_space<vmem>> -> memref<1x128xi32, #tpu.memory_space<vmem>>
      %dma_start3A_144 = tpu.memref_squeeze %dma_start3A_143 : memref<1x128xi32, #tpu.memory_space<vmem>> -> memref<128xi32, #tpu.memory_space<vmem>>
      %dma_start3A_145 = arith.constant 0 : i32
      %dma_start3A_146 = arith.constant 0 : i32
      %dma_start3A_147 = tpu.memref_slice %arg11[%dma_start3A_145, %dma_start3A_146] : memref<10240x128xf32, #tpu.memory_space<vmem_shared>> -> memref<10240x128xf32, #tpu.memory_space<vmem_shared>>
      tpu.enqueue_indirect_dma source(%dma_start3A_141 : memref<128x128xf32, #tpu.memory_space<vmem>>) target(%dma_start3A_147 : memref<10240x128xf32, #tpu.memory_space<vmem_shared>>) offsets(%dma_start3A_144 : memref<128xi32, #tpu.memory_space<vmem>>) semaphore(%run_scoped3A_137 : memref<!tpu.dma_semaphore, #tpu.memory_space<semaphore_mem>>) {add = true}
      %dma_wait3A_148 = arith.constant 0 : i32
      %dma_wait3A_149 = arith.constant 0 : i32
      %dma_wait3A_150 = tpu.memref_slice %arg5[%run_scoped3A_121, %dma_wait3A_148, %dma_wait3A_149] : memref<2x128x128xf32, #tpu.memory_space<vmem>> -> memref<1x128x128xf32, #tpu.memory_space<vmem>>
      %dma_wait3A_151 = tpu.memref_squeeze %dma_wait3A_150 : memref<1x128x128xf32, #tpu.memory_space<vmem>> -> memref<128x128xf32, #tpu.memory_space<vmem>>
      %dma_wait3A_152 = arith.constant 0 : i32
      %dma_wait3A_153 = tpu.memref_slice %arg6[%run_scoped3A_122, %dma_wait3A_152] : memref<2x128xi32, #tpu.memory_space<vmem>> -> memref<1x128xi32, #tpu.memory_space<vmem>>
      %dma_wait3A_154 = tpu.memref_squeeze %dma_wait3A_153 : memref<1x128xi32, #tpu.memory_space<vmem>> -> memref<128xi32, #tpu.memory_space<vmem>>
      %dma_wait3A_155 = arith.constant 0 : i32
      %dma_wait3A_156 = arith.constant 0 : i32
      %dma_wait3A_157 = tpu.memref_slice %arg11[%dma_wait3A_155, %dma_wait3A_156] : memref<10240x128xf32, #tpu.memory_space<vmem_shared>> -> memref<10240x128xf32, #tpu.memory_space<vmem_shared>>
      tpu.wait_indirect_dma semaphore(%run_scoped3A_137 : memref<!tpu.dma_semaphore, #tpu.memory_space<semaphore_mem>>) src(%dma_wait3A_151 : memref<128x128xf32, #tpu.memory_space<vmem>>) dst(%dma_wait3A_157 : memref<10240x128xf32, #tpu.memory_space<vmem_shared>>)
      tpu.yield
    }) : () -> ()
    %dma_wait3A_123 = tpu.memref_slice %arg3[%add3A_42] : memref<320000xi32, #tpu.memory_space<hbm>> -> memref<16xi32, #tpu.memory_space<hbm>>
    %dma_wait3A_124 = tpu.memref_slice %arg3[%add3A_42] : memref<320000xi32, #tpu.memory_space<hbm>> -> memref<16xi32, #tpu.memory_space<hbm>>
    tpu.wait_dma2 semaphore(%arg9 : memref<!tpu.dma_semaphore, #tpu.memory_space<semaphore_mem>>) src(%dma_wait3A_124 : memref<16xi32, #tpu.memory_space<hbm>>) dst(%arg8 : memref<16xi32, #tpu.memory_space<vmem>>)
    %dma_wait3A_125 = arith.constant 0 : i32
    %dma_wait3A_126 = tpu.memref_slice %arg2[%add3A_42, %dma_wait3A_125] : memref<320000x128xf32, #tpu.memory_space<hbm>> -> memref<16x128xf32, #tpu.memory_space<hbm>>
    %dma_wait3A_127 = arith.constant 0 : i32
    %dma_wait3A_128 = tpu.memref_slice %arg2[%add3A_42, %dma_wait3A_127] : memref<320000x128xf32, #tpu.memory_space<hbm>> -> memref<16x128xf32, #tpu.memory_space<hbm>>
    tpu.wait_dma2 semaphore(%arg9 : memref<!tpu.dma_semaphore, #tpu.memory_space<semaphore_mem>>) src(%dma_wait3A_128 : memref<16x128xf32, #tpu.memory_space<hbm>>) dst(%arg7 : memref<16x128xf32, #tpu.memory_space<vmem>>)
    "tpu.region"() ({
      %run_scoped3A_137 = tpu.sem_alloc : memref<!tpu.dma_semaphore, #tpu.memory_space<semaphore_mem>>
      %dma_start3A_138 = arith.constant 0 : i32
      %dma_start3A_139 = arith.constant 0 : i32
      %dma_start3A_140 = tpu.memref_slice %arg11[%dma_start3A_138, %dma_start3A_139] : memref<10240x128xf32, #tpu.memory_space<vmem_shared>> -> memref<10240x128xf32, #tpu.memory_space<vmem_shared>>
      tpu.enqueue_indirect_dma source(%arg7 : memref<16x128xf32, #tpu.memory_space<vmem>>) target(%dma_start3A_140 : memref<10240x128xf32, #tpu.memory_space<vmem_shared>>) offsets(%arg8 : memref<16xi32, #tpu.memory_space<vmem>>) semaphore(%run_scoped3A_137 : memref<!tpu.dma_semaphore, #tpu.memory_space<semaphore_mem>>) {add = true}
      %dma_wait3A_141 = arith.constant 0 : i32
      %dma_wait3A_142 = arith.constant 0 : i32
      %dma_wait3A_143 = tpu.memref_slice %arg11[%dma_wait3A_141, %dma_wait3A_142] : memref<10240x128xf32, #tpu.memory_space<vmem_shared>> -> memref<10240x128xf32, #tpu.memory_space<vmem_shared>>
      tpu.wait_indirect_dma semaphore(%run_scoped3A_137 : memref<!tpu.dma_semaphore, #tpu.memory_space<semaphore_mem>>) src(%arg7 : memref<16x128xf32, #tpu.memory_space<vmem>>) dst(%dma_wait3A_143 : memref<10240x128xf32, #tpu.memory_space<vmem_shared>>)
      tpu.yield
    }) : () -> ()
    %barrier3A_129 = arith.constant 0 : index
    tpu.barrier barrier_id(%barrier3A_129)
    %mul3A_130 = arith.constant 10240 : i32
    %mul3A_131 = arith.muli %arg0, %mul3A_130 : i32
    %mul3A_132 = arith.constant 640 : i32
    %mul3A_133 = arith.muli %arg1, %mul3A_132 : i32
    %add3A_134 = arith.addi %mul3A_131, %mul3A_133 : i32
    %mul3A_135 = arith.constant 640 : i32
    %mul3A_136 = arith.muli %arg1, %mul3A_135 : i32
    "tpu.region"() ({
      %run_scoped3A_137 = tpu.sem_alloc : memref<!tpu.dma_semaphore, #tpu.memory_space<semaphore_mem>>
      %dma_start3A_138 = arith.constant 0 : i32
      %dma_start3A_139 = tpu.memref_slice %arg4[%add3A_134, %dma_start3A_138] : memref<20480x128xf32, #tpu.memory_space<hbm>> -> memref<640x128xf32, #tpu.memory_space<hbm>>
      %dma_start3A_140 = arith.constant 0 : i32
      %dma_start3A_141 = tpu.memref_slice %arg11[%mul3A_136, %dma_start3A_140] : memref<10240x128xf32, #tpu.memory_space<vmem_shared>> -> memref<640x128xf32, #tpu.memory_space<vmem_shared>>
      tpu.enqueue_dma source(%dma_start3A_141 : memref<640x128xf32, #tpu.memory_space<vmem_shared>>) target(%dma_start3A_139 : memref<640x128xf32, #tpu.memory_space<hbm>>) target_semaphore(%run_scoped3A_137 : memref<!tpu.dma_semaphore, #tpu.memory_space<semaphore_mem>>)
      %dma_wait3A_142 = arith.constant 0 : i32
      %dma_wait3A_143 = tpu.memref_slice %arg4[%add3A_134, %dma_wait3A_142] : memref<20480x128xf32, #tpu.memory_space<hbm>> -> memref<640x128xf32, #tpu.memory_space<hbm>>
      %dma_wait3A_144 = arith.constant 0 : i32
      %dma_wait3A_145 = tpu.memref_slice %arg11[%mul3A_136, %dma_wait3A_144] : memref<10240x128xf32, #tpu.memory_space<vmem_shared>> -> memref<640x128xf32, #tpu.memory_space<vmem_shared>>
      tpu.wait_dma2 semaphore(%run_scoped3A_137 : memref<!tpu.dma_semaphore, #tpu.memory_space<semaphore_mem>>) src(%dma_wait3A_145 : memref<640x128xf32, #tpu.memory_space<vmem_shared>>) dst(%dma_wait3A_143 : memref<640x128xf32, #tpu.memory_space<hbm>>)
      tpu.yield
    }) : () -> ()
    return
  }
}

module attributes {stable_mosaic.version = 14 : i64} {
  func.func @_merge_body(%arg0: i32, %arg1: memref<2560x128xf32, #tpu.memory_space<vmem>>, %arg2: memref<2560x128xf32, #tpu.memory_space<vmem>>, %arg3: memref<2560x128xf32, #tpu.memory_space<vmem>>) attributes {dimension_semantics = [#tpu.dimension_semantics<arbitrary>], iteration_bounds = array<i64: 4>, scalar_prefetch = 0 : i64, scratch_operands = 0 : i64, tpu.core_type = #tpu.core_type<tc>, window_params = [{transform_indices = @transform_0, window_bounds = array<i64: 2560, 128>}, {transform_indices = @transform_1, window_bounds = array<i64: 2560, 128>}, {transform_indices = @transform_2, window_bounds = array<i64: 2560, 128>}]} {
    %get3A = arith.constant 0 : index
    %get3A_0 = arith.constant 0 : index
    %get3A_1 = vector.load %arg1[%get3A, %get3A_0] : memref<2560x128xf32, #tpu.memory_space<vmem>>, vector<2560x128xf32>
    %get3A_2 = arith.constant 0 : index
    %get3A_3 = arith.constant 0 : index
    %get3A_4 = vector.load %arg2[%get3A_2, %get3A_3] : memref<2560x128xf32, #tpu.memory_space<vmem>>, vector<2560x128xf32>
    %add3A = arith.addf %get3A_1, %get3A_4 : vector<2560x128xf32>
    %swap3A = arith.constant 0 : index
    %swap3A_5 = arith.constant 0 : index
    %swap3A_6 = vector.load %arg3[%swap3A, %swap3A_5] : memref<2560x128xf32, #tpu.memory_space<vmem>>, vector<2560x128xf32>
    tpu.vector_store %arg3[%swap3A, %swap3A_5], %add3A {strides = array<i32>} : memref<2560x128xf32, #tpu.memory_space<vmem>>, vector<2560x128xf32>,
    return
  }
  func.func @transform_0(%arg0: i32) -> (i32, i32) {
    %c0_i32 = arith.constant 0 : i32
    %c0_i32_0 = arith.constant 0 : i32
    return %arg0, %c0_i32 : i32, i32
  }
  func.func @transform_1(%arg0: i32) -> (i32, i32) {
    %add3A = arith.constant 4 : i32
    %add3A_0 = arith.addi %arg0, %add3A : i32
    %c0_i32 = arith.constant 0 : i32
    %c0_i32_1 = arith.constant 0 : i32
    return %add3A_0, %c0_i32 : i32, i32
  }
  func.func @transform_2(%arg0: i32) -> (i32, i32) {
    %c0_i32 = arith.constant 0 : i32
    %c0_i32_0 = arith.constant 0 : i32
    return %arg0, %c0_i32 : i32, i32
  }
}

</mosaic_0001>

<sc_bundles>
// kernel: kernel.4.cloned.1.call-start
scs
__scs_entry_jumppad:
0x0: {  	(pc) =	sbr.rel $0x88, $3  }
0x1: {  	(tag) =	ssettag $0x0;
	lr =	simm.s32 $0x1  }
0x2: {  	[smem:$0x3F9F] =	sst lr;
	_ =	strace $0xD0000000  }
0x3: {  	_ = 	snop  }
0x4: {  	_ = 	snop  }
0x5: {  	_ = 	snop  }
0x6: {  	_ = 	snop  }
0x7: {  	_ = 	snop  }
__scs_overlays_trampoline_lowered:
0x8: {  	[smem:$0x3FAE] =	sst s0  }
0x9: {  	[smem:$0x3FAF] =	sst s1  }
0xa: {  	[smem:$0x3FB0] =	sst s2  }
0xb: {  	[smem:$0x3FB1] =	sst s3  }
0xc: {  	[smem:$0x3FB2] =	sst s4  }
0xd: {  	[smem:$0x3FB3] =	sst s5  }
0xe: {  	[smem:$0x3FB4] =	sst s6  }
0xf: {  	[smem:$0x3FB5] =	sst s7  }
0x10: {  	[smem:$0x3FB6] =	sst s8  }
0x11: {  	[smem:$0x3FB7] =	sst s9;
	s0 =	simm.s32 @!p0 $0x0  }
0x12: {  	s1 =	sld [smem:$0x3F9D];
	s0 =	simm.s32 @p0 $0x1  }
0x13: {  	[smem:$0x3FB8] =	sst s0;
	s0 =	simm.s32 @!p1 $0x0  }
0x14: {  	s2 =	sld [smem:$0x3F9C];
	s0 =	simm.s32 @p1 $0x1  }
0x15: {  	[smem:$0x3FB9] =	sst s0;
	s0 =	simm.s32 @!p2 $0x0  }
0x16: {  	s3 =	sld [smem:$0x3FDB];
	s0 =	simm.s32 @p2 $0x1  }
0x17: {  	s4 =	simm.s32 $0x1BF5;
	[smem:$0x3FBB] =	sst s0  }
0x18: {  	s0 =	sld [smem:$0x3F9E];
	_ =	swait.ge [sflag:s4], $0x0  }
0x19: {  	s7 =	sld [smem:$0x3F9F]  }
0x1a: {  	s8 =	sadd.s32 $0xFFFFE003, lr  }
0x1b: {  	s9 =	sadd.s32 $0xFFFFFEF7, lr;
	s5 =	simm.s32 $0xFFFFFFFF;
	p2 =	slt.u32 s8, $0xFFFFF086  }
0x1c: {  	p1 =	slt.u32 s9, $0xF7A;
	s5 =	simm.s32 @!p2 $0x0  }
0x1d: {  	s5 =	simm.s32 @p1 $0x1;
	p0 =	seq.s32 s7, s2  }
0x1e: {  	s7 =	smul.u32 @!p0 $0xF7A, s2;
	p2 =	seq.s32 @!p0 s5, $0x0  }
0x1f: {  	s9 =	smul.u32 $0xF7A, s1;
	s8 =	simm.s32 @!p0 $0x1BF5;
	p2 =	por !p2, p0  }
0x20: {  	[sflag:s8] =	ssyncset.s32 @!p0 $0xFFFFF086;
	s6 =	sadd.s32 @!p0 s3, s7;
	s7 =	simm.s32 @!p0 $0x108  }
0x21: {  	s3 =	sadd.s32 s3, s9;
	s6 =	sadd.s32 @!p0 $0x88, s6;
	s7 =	simm.s32 @p2 $0x1082  }
0x22: {  	[simem:s7], [sflag:s8] =	dma.local @!p0 [hbm:s6], $0xF7A  }
0x23: {  	s9 =	sor.u32 $0xD0000000, s2;
	s6 =	simm.s32 $0x108;
	_ =	swait.ge @!p0 [sflag:s8], $0x0  }
0x24: {  	s3 =	sadd.s32 $0x88, s3;
	s6 =	simm.s32 @!p1 $0x1082;
	[sflag:s4] =	ssyncset.s32 $0xFFFFF086  }
0x25: {  	[simem:s6], [sflag:s4] =	dma.local [hbm:s3], $0xF7A  }
0x26: {  	[smem:$0x3F9F] =	sst s1;
	(tag) =	ssettag s2;
	_ =	strace s9  }
0x27: {  	s1 =	sld [smem:$0x3FAF]  }
0x28: {  	s2 =	sld [smem:$0x3FB0]  }
0x29: {  	s4 =	sld [smem:$0x3FB2]  }
0x2a: {  	p0 =	seq.s32 s5, $0x0;
	s5 =	sld [smem:$0x3FB3]  }
0x2b: {  	s6 =	sld [smem:$0x3FB4]  }
0x2c: {  	s7 =	sld [smem:$0x3FB5]  }
0x2d: {  	s3 =	simm.s32 $0x108;
	s8 =	sld [smem:$0x3FB6]  }
0x2e: {  	s3 =	simm.s32 @!p0 $0x1082;
	s9 =	sld [smem:$0x3FB7]  }
0x2f: {  	lr =	sadd.s32 s0, s3;
	s0 =	sld [smem:$0x3FAE]  }
0x30: {  	s3 =	sld [smem:$0x3FB1]  }
0x31: {  	[smem:$0x3FBA] =	sst s10  }
0x32: {  	s10 =	sld [smem:$0x3FB8];
	_ =	sdelay $0x3  }
0x33: {  	p0 =	seq.s32 s10, $0x1;
	s10 =	sld [smem:$0x3FBA];
	_ =	sdelay $0x3  }
0x34: {  	[smem:$0x3FBA] =	sst s10  }
0x35: {  	s10 =	sld [smem:$0x3FB9];
	_ =	sdelay $0x3  }
0x36: {  	p1 =	seq.s32 s10, $0x1;
	s10 =	sld [smem:$0x3FBA];
	_ =	sdelay $0x3  }
0x37: {  	[smem:$0x3FBA] =	sst s10  }
0x38: {  	s10 =	sld [smem:$0x3FBB]  }
0x39: {  	_ = 	snop;
	(pc) =	sbr.ind lr, $3  }
0x3a: {  	_ = 	snop  }
0x3b: {  	_ = 	snop  }
0x3c: {  	p2 =	seq.s32 s10, $0x1;
	s10 =	sld [smem:$0x3FBA]  }
0x3d: {  	_ =	shalt  }
0x3e: {  	_ =	shalt  }
0x3f: {  	_ =	shalt  }
0x40: {  	_ =	shalt  }
0x41: {  	_ =	shalt  }
0x42: {  	_ =	shalt  }
0x43: {  	_ =	shalt  }
0x44: {  	_ =	shalt  }
0x45: {  	_ =	shalt  }
0x46: {  	_ =	shalt  }
0x47: {  	_ =	shalt  }
0x48: {  	_ =	shalt  }
0x49: {  	_ =	shalt  }
0x4a: {  	_ =	shalt  }
0x4b: {  	_ =	shalt  }
0x4c: {  	_ =	shalt  }
0x4d: {  	_ =	shalt  }
0x4e: {  	_ =	shalt  }
0x4f: {  	_ =	shalt  }
0x50: {  	_ =	shalt  }
0x51: {  	_ =	shalt  }
0x52: {  	_ =	shalt  }
0x53: {  	_ =	shalt  }
0x54: {  	_ =	shalt  }
0x55: {  	_ =	shalt  }
0x56: {  	_ =	shalt  }
0x57: {  	_ =	shalt  }
0x58: {  	_ =	shalt  }
0x59: {  	_ =	shalt  }
0x5a: {  	_ =	shalt  }
0x5b: {  	_ =	shalt  }
0x5c: {  	_ =	shalt  }
0x5d: {  	_ =	shalt  }
0x5e: {  	_ =	shalt  }
0x5f: {  	_ =	shalt  }
0x60: {  	_ =	shalt  }
0x61: {  	_ =	shalt  }
0x62: {  	_ =	shalt  }
0x63: {  	_ =	shalt  }
0x64: {  	_ =	shalt  }
0x65: {  	_ =	shalt  }
0x66: {  	_ =	shalt  }
0x67: {  	_ =	shalt  }
0x68: {  	_ =	shalt  }
0x69: {  	_ =	shalt  }
0x6a: {  	_ =	shalt  }
0x6b: {  	_ =	shalt  }
0x6c: {  	_ =	shalt  }
0x6d: {  	_ =	shalt  }
0x6e: {  	_ =	shalt  }
0x6f: {  	_ =	shalt  }
0x70: {  	_ =	shalt  }
0x71: {  	_ =	shalt  }
0x72: {  	_ =	shalt  }
0x73: {  	_ =	shalt  }
0x74: {  	_ =	shalt  }
0x75: {  	_ =	shalt  }
0x76: {  	_ =	shalt  }
0x77: {  	_ =	shalt  }
0x78: {  	_ =	shalt  }
0x79: {  	_ =	shalt  }
0x7a: {  	_ =	shalt  }
0x7b: {  	_ =	shalt  }
0x7c: {  	_ =	shalt  }
0x7d: {  	_ =	shalt  }
0x7e: {  	_ =	shalt  }
0x7f: {  	_ =	shalt  }
0x80: {  	_ =	shalt  }
0x81: {  	_ =	shalt  }
0x82: {  	_ =	shalt  }
0x83: {  	_ =	shalt  }
0x84: {  	_ =	shalt  }
0x85: {  	_ =	shalt  }
0x86: {  	_ =	shalt  }
0x87: {  	_ =	shalt  }
.Lfunc_end0:
.L_simem_size_0:
called_computation_lowered:
.L_overlay_start_0:
0x88: {  	s2 =	sld [smem:$0x3FD9]  }
0x89: {  	s3 =	sld [smem:$0x3FFE];
	_ =	sdelay $0x1  }
0x8a: {  	s1 =	srdreg.scid  }
0x8b: {  	s0 =	sand.u32 $0x1, s1  }
0x8c: {  	s17 =	sshll.u32 s0, $0xA;
	s2 =	sadd.s32 s3, s2  }
0x8d: {  	s2 =	sadd.s32 s2, s17  }
0x8e: {  	[smem:$0x3FC6] =	sst s2  }
0x8f: {  	_ = 	snop  }
0x90: {  	s2 =	sld [smem:$0x3FC9]  }
0x91: {  	s18 =	sld [smem:$0x3FC8];
	(tm) =	ssettm $0x1  }
0x92: {  	s4 =	sld [smem:$0x3FFB];
	_ =	sdelay $0x3  }
0x93: {  	_ =	strace s4  }
0x94: {  	s4 =	sld [smem:$0x3FFC];
	_ =	sdelay $0x3  }
0x95: {  	_ =	strace s4  }
0x96: {  	s4 =	sld [smem:$0x3FFD];
	_ =	sdelay $0x3  }
0x97: {  	_ =	strace s4  }
0x98: {  	_ =	strace $0x8FFFFFFF  }
0x99: {  	s19 =	sld [smem:$0x3FDB];
	_ =	sdelay $0x1  }
0x9a: {  	s5 =	simm.s32 $_scs_section_size  }
0x9b: {  	s6 =	simm.s32 $_size__tile_overlayer_lowered;
	s7 =	simm.s32 $_tile_overlayer_lowered  }
0x9c: {  	s22 =	simm.s32 $0x1BFF;
	s21 =	sshll.u32 s7, $0x1;
	s4 =	sadd.s32 s5, s19  }
0x9d: {  	s8 =	simm.s32 $0x0;
	s20 =	sshll.u32 s6, $0x1;
	s6 =	sadd.s32 s21, s4  }
0x9e: {  	[timem:s8], [sflag:s22] =	dma.local [hbm:s6], s20  }
0x9f: {  	_ =	swait.ge [sflag:s22], s20  }
0xa0: {  	s5 =	ssub.s32 $0x0, s20;
	[sflag:s22] =	ssyncset.done $0x0  }
0xa1: {  	[sflag:s22] =	ssyncadd.s32 s5;
	_ =	sdelay $0x1  }
0xa2: {  	s23 =	simm.s32 $0x1B8B  }
0xa3: {  	_ =	swait.ge [sflag:s23], $0x1  }
0xa4: {  	[sflag:s23] =	ssyncset.done $0x0  }
0xa5: {  	s25 =	simm.s32 $0x1B8E;
	s24 =	sld [smem:$0x3FFE];
	[sflag:s23] =	ssyncadd.s32 $0xFFFFFFFF  }
0xa6: {  	s26 =	simm.s32 $execute0_lowered;
	[smem:$0x3FD2] =	sst s25  }
0xa7: {  	s6 =	sshll.u32 s26, $0x1;
	_ =	strace $0x80000046;
	[dreg:$0x1] =	wrdreg $0xFFFFFFFF  }
0xa8: {  	s28 =	simm.s32 $_size_execute0_lowered;
	s4 =	sadd.s32 s4, s6;
	[dreg:$0x0] =	wrdreg $0x0  }
0xa9: {  	s6 =	sshll.u32 s28, $0x1;
	[dreg:$0x2] =	wrdreg s4  }
0xaa: {  	[dreg:$0x3] =	wrdreg s6  }
0xab: {  	[dreg:$0x4] =	wrdreg $0xC0  }
0xac: {  	_ =	task [dreg:s8], $0x5FFFF  }
0xad: {  	[dreg:$0x1] =	wrdreg $0xFFFFFFFF  }
0xae: {  	[dreg:$0x0] =	wrdreg $0x60  }
0xaf: {  	[dreg:$0x2] =	wrdreg s2  }
0xb0: {  	[dreg:$0x3] =	wrdreg s18  }
0xb1: {  	[dreg:$0x4] =	wrdreg s24  }
0xb2: {  	[dreg:$0x5] =	wrdreg $0x89800  }
0xb3: {  	[dreg:$0x6] =	wrdreg $0x9  }
0xb4: {  	_ =	task.clear_ibuf [dreg:s8], $0x7FFFF;
	_ =	strace $0x90000046  }
0xb5: {  	s29 =	simm.s32 $0x9;
	_ =	strace $0x80000048  }
0xb6: {  	_ =	swait.ge [sflag:s29], $0x1  }
0xb7: {  	[sflag:s29] =	ssyncadd.s32 $0xFFFFFFFF  }
0xb8: {  	_ =	strace $0x90000048  }
0xb9: {  	_ =	sfence  }
0xba: {  	s30 =	sld [smem:$0x0];
	_ =	sdelay $0x2  }
0xbb: {  	s31 =	sshll.u32 s1, $0xD;
	s1 =	sshrl.u32 s1, $0x2  }
0xbc: {  	s3 =	sand.u32 $0x4000, s31;
	s1 =	sadd.s32 s1, s30  }
0xbd: {  	s0 =	sor.u32 s3, s0;
	s1 =	sshll.u32 s1, $0x11  }
0xbe: {  	s0 =	sor.u32 s1, s0  }
0xbf: {  	s0 =	sadd.s32 $0x8F2B, s0  }
0xc0: {  	[sflag:s0] =	ssyncadd.remote.s32 $0x1  }
0xc1: {  	_ =	sfence.sel $0xFFFF  }
0xc2: {  	[dreg:$0x0] =	wrdreg $0xFFFFFFFF;
	(pc) =	sbr.abs _section_cstart, $3  }
0xc3: {  	[dreg:$0x1] =	wrdreg $0xFFFFFFFF  }
0xc4: {  	_ =	task.clear_ibuf [dreg:s8], $0x2FFFF;
	_ =	strace $0x9FFFFFFF  }
0xc5: {  	(tm) =	ssettm $0x7FFFFFFF  }
tec
execute0_lowered:
.L_overlay_start_1:
0x0: {  	(tag) =	ssettag $0x1  }
0x1: {  	s0 =	rddreg [dreg:$0x0]  }
0x2: {  	s1 =	rddreg [dreg:$0x1]  }
0x3: {  	s2 =	rddreg [dreg:$0x2];
	s16 =	stileid.u32  }
0x4: {  	s3 =	rddreg [dreg:$0x3];
	s8 =	smul.u32 $0x2800, s16  }
0x5: {  	s4 =	srdreg.scid;
	s28 =	simm.s32 $0x2;
	s11 =	smul.u32 $0x50000, s16  }
0x6: {  	s29 =	simm.s32 $0x8900;
	s30 =	simm.s32 $0x8100;
	s25 =	smul.u32 $0x2710, s16  }
0x7: {  	s6 =	sand.u32 $0x1, s4;
	s4 =	simm.s32 $0x0;
	s26 =	smul.u32 $0x27100, s16  }
0x8: {  	s5 =	smul.u32 $0x28000, s6;
	s7 =	sshll.u32 s6, $0x4;
	s9 =	ssub.s32 $0x2, s6  }
0x9: {  	[smem:$0x7FF] =	sst s4;
	s7 =	sor.u32 s16, s7;
	s15 =	sshrl.u32 s9, $0x1  }
0xa: {  	_ =	strace $0x80000047;
	s17 =	sshrl.u32 s11, $0x2;
	s10 =	smul.u32 $0x2710, s7  }
0xb: {  	s5 =	sadd.s32 s8, s5;
	s13 =	ssub.s32 s9, s15;
	s7 =	smul.u32 $0x27100, s7  }
0xc: {  	s2 =	sadd.s32 s5, s2;
	s5 =	sadd.s32 s17, s3;
	s17 =	smul.u32 $0x271000, s6  }
0xd: {  	s6 =	smul.u32 $0x27100, s6;
	s13 =	smax.u32 s13, $0x1;
	s18 =	sshrl.u32 s10, $0x3  }
0xe: {  	s19 =	sadd.s32 $0x2680, s10;
	s7 =	sadd.s32 s0, s7;
	s10 =	sadd.s32 $0x2700, s10  }
0xf: {  	s12 =	sadd.s32 $0x600, s2;
	s14 =	sadd.s32 $0x4000, s5;
	s15 =	sadd.s32 $0x8000, s5  }
0x10: {  	s16 =	sadd.s32 $0xC000, s5;
	s8 =	sadd.s32 s1, s18;
	[dreg:$0x6] =	wrdreg s7  }
0x11: {  	s20 =	sshrl.u32 s19, $0x3;
	s21 =	sshll.u32 s19, $0x4;
	s23 =	sshrl.u32 s10, $0x3  }
0x12: {  	s24 =	sshll.u32 s10, $0x4;
	s2 =	sadd.s32 s25, s6;
	s25 =	simm.s32 $0x1  }
0x13: {  	[dreg:$0x5] =	wrdreg s8;
	s7 =	sadd.s32 s1, s20;
	s22 =	sadd.s32 s0, s21  }
0x14: {  	s10 =	sadd.s32 s1, s23;
	s11 =	sadd.s32 s0, s24;
	s0 =	sadd.s32 s17, s0  }
0x15: {  	s17 =	sadd.s32 $0x10000, s5;
	s6 =	sadd.s32 $0x80, s2;
	s19 =	sadd.s32 $0x100, s2  }
0x16: {  	s21 =	simm.s32 $0x3;
	s23 =	simm.s32 $0x8080;
	[dreg:$0x7] =	wrdreg s7  }
0x17: {  	s24 =	simm.s32 $0x4000;
	[dreg:$0x8] =	wrdreg s22;
	s0 =	sadd.s32 s26, s0  }
0x18: {  	s31 =	sshrl.u32 s6, $0x3;
	s22 =	simm.s32 $0x8000;
	s26 =	simm.s32 $0x80  }
0x19: {  	v0 =	vimm.f32 $0.0e+00;
	s18 =	sadd.s32 $0x1000, s0;
	s20 =	sadd.s32 s31, s1;
	s0 =	simm.s32 $0x0  }
.LBB2_1:
0x1a: {  	s2 =	simm.s32 $0x0;
	s6 =	simm.s32 $0x200  }
.LBB2_2:
0x1b: {  	p0 =	sne.s32 s6, $0xFE00;
	[tilespmem:s2+$0x70] =	vst v0  }
0x1c: {  	[tilespmem:s2+$0x0] =	vst v0  }
0x1d: {  	[tilespmem:s2+$0x10] =	vst v0  }
.Ltmp0:
0x1e: {  	[tilespmem:s2+$0x20] =	vst v0;
	(pc) =	sbr.rel @p0 .LBB2_2-.Ltmp0, $4  }
0x1f: {  	[tilespmem:s2+$0x30] =	vst v0  }
0x20: {  	[tilespmem:s2+$0x40] =	vst v0  }
0x21: {  	[tilespmem:s2+$0x50] =	vst v0  }
0x22: {  	[tilespmem:s2+$0x60] =	vst v0;
	s2 =	sshra.s32 s6, $0x2;
	s6 =	sadd.s32 $0x200, s6  }
0x23: {  	[tilespmem:s2+$0x70] =	vst v0  }
0x24: {  	[tilespmem:s2+$0x0] =	vst v0  }
0x25: {  	[tilespmem:s2+$0x10] =	vst v0  }
0x26: {  	[tilespmem:s2+$0x20] =	vst v0  }
0x27: {  	[tilespmem:s2+$0x30] =	vst v0  }
0x28: {  	[tilespmem:s2+$0x40] =	vst v0  }
0x29: {  	[tilespmem:s2+$0x50] =	vst v0  }
0x2a: {  	[tilespmem:s2+$0x60] =	vst v0;
	s8 =	simm.s32 $0x0  }
0x2b: {  	[spmem:s5] =	stream.linear.scatter [tilespmem:s8], [sflag:$0x3], $0x4000, $0x38;
	[tilespmem:$0x1C980] =	vst v63  }
0x2c: {  	_ =	swait.ge [sflag:s21], $0x4000  }
0x2d: {  	[sflag:s21] =	ssyncset.done $0x0  }
0x2e: {  	[sflag:s21] =	ssyncadd.s32 $0xFFFFC000  }
0x2f: {  	[spmem:s14] =	stream.linear.scatter [tilespmem:s8], [sflag:$0x3], $0x4000, $0x38;
	[tilespmem:$0x1C980] =	vst v63  }
0x30: {  	_ =	swait.ge [sflag:s21], $0x4000  }
0x31: {  	[sflag:s21] =	ssyncset.done $0x0  }
0x32: {  	[sflag:s21] =	ssyncadd.s32 $0xFFFFC000  }
0x33: {  	[spmem:s15] =	stream.linear.scatter [tilespmem:s8], [sflag:$0x3], $0x4000, $0x38;
	[tilespmem:$0x1C980] =	vst v63  }
0x34: {  	_ =	swait.ge [sflag:s21], $0x4000  }
0x35: {  	[sflag:s21] =	ssyncset.done $0x0  }
0x36: {  	[sflag:s21] =	ssyncadd.s32 $0xFFFFC000  }
0x37: {  	[spmem:s16] =	stream.linear.scatter [tilespmem:s8], [sflag:$0x3], $0x4000, $0x38;
	[tilespmem:$0x1C980] =	vst v63  }
0x38: {  	_ =	swait.ge [sflag:s21], $0x4000  }
0x39: {  	[sflag:s21] =	ssyncset.done $0x0  }
0x3a: {  	[sflag:s21] =	ssyncadd.s32 $0xFFFFC000  }
0x3b: {  	[spmem:s17] =	stream.linear.scatter [tilespmem:s8], [sflag:$0x3], $0x4000, $0x38;
	[tilespmem:$0x1C980] =	vst v63  }
0x3c: {  	_ =	swait.ge [sflag:s21], $0x4000  }
0x3d: {  	[sflag:s21] =	ssyncset.done $0x0  }
0x3e: {  	[sflag:s21] =	ssyncadd.s32 $0xFFFFC000  }
0x3f: {  	[bflag:$0x0] =	sbarrier.arrive $0xFFFF  }
0x40: {  	s6 =	rddreg [dreg:$0x5]  }
0x41: {  	[tilespmem:s22], [sflag:$0x1] =	stream.linear.gather [hbm4b:s6+s8], $0x80, $0x38;
	[tilespmem:$0x1C980] =	vst v63  }
0x42: {  	s9 =	rddreg [dreg:$0x6]  }
0x43: {  	[tilespmem:s8], [sflag:$0x1] =	stream.linear.gather [hbm4b:s9+s8], $0x4000, $0x38;
	[tilespmem:$0x1C980] =	vst v63  }
0x44: {  	s7 =	sadd.s32 $0x0, s20  }
0x45: {  	[tilespmem:s23], [sflag:$0x2] =	stream.linear.gather [hbm4b:s7+s4], $0x80, $0x38;
	[tilespmem:$0x1C980] =	vst v63  }
0x46: {  	s8 =	sadd.s32 $0xFFFFF800, s18  }
0x47: {  	[tilespmem:s24], [sflag:$0x2] =	stream.linear.gather [hbm4b:s8+s4], $0x4000, $0x38;
	[tilespmem:$0x1C980] =	vst v63  }
0x48: {  	_ =	swait.ge [sflag:s25], $0x80  }
0x49: {  	[sflag:s25] =	ssyncset.done $0x0  }
0x4a: {  	[sflag:s25] =	ssyncadd.s32 $0xFFFFFF80  }
0x4b: {  	_ =	swait.ge [sflag:s25], $0x4000  }
0x4c: {  	[sflag:s25] =	ssyncset.done $0x0  }
0x4d: {  	[sflag:s25] =	ssyncadd.s32 $0xFFFFC000  }
0x4e: {  	[spmem:s3] =	stream.indirect.scatter.add.f32 [tilespmem:s4], [sflag:$0x3], $0x80, s22, s26, $0xb8;
	[tilespmem:$0x1C980] =	vst v63  }
0x4f: {  	_ =	swait.ge [sflag:s21], $0x4000  }
0x50: {  	s9 =	sshrl.u32 s19, $0x3;
	[sflag:s21] =	ssyncset.done $0x0  }
0x51: {  	s2 =	sadd.s32 s1, s9;
	[sflag:s21] =	ssyncadd.s32 $0xFFFFC000  }
0x52: {  	[tilespmem:s22], [sflag:$0x1] =	stream.linear.gather [hbm4b:s2+s4], $0x80, $0x38;
	[tilespmem:$0x1C980] =	vst v63  }
0x53: {  	_ = 	snop  }
0x54: {  	[tilespmem:s4], [sflag:$0x1] =	stream.linear.gather [hbm4b:s18+s4], $0x4000, $0x38;
	[tilespmem:$0x1C980] =	vst v63  }
0x55: {  	_ =	swait.ge [sflag:s28], $0x80  }
0x56: {  	[sflag:s28] =	ssyncset.done $0x0  }
0x57: {  	[sflag:s28] =	ssyncadd.s32 $0xFFFFFF80  }
0x58: {  	_ =	swait.ge [sflag:s28], $0x4000  }
0x59: {  	[sflag:s28] =	ssyncset.done $0x0  }
0x5a: {  	[sflag:s28] =	ssyncadd.s32 $0xFFFFC000  }
0x5b: {  	[spmem:s3] =	stream.indirect.scatter.add.f32 [tilespmem:s24], [sflag:$0x3], $0x80, s23, s26, $0xb8;
	[tilespmem:$0x1C980] =	vst v63  }
0x5c: {  	s31 =	sadd.s32 $0x100, s19;
	s6 =	simm.s32 $0x20;
	_ =	swait.ge [sflag:s21], $0x4000  }
0x5d: {  	s7 =	simm.s32 $0x40;
	s2 =	sadd.s32 $0x1000, s18;
	[sflag:s21] =	ssyncset.done $0x0  }
.LBB2_4:
0x5e: {  	s8 =	sadd.s32 s6, s20  }
0x5f: {  	[sflag:s21] =	ssyncadd.s32 $0xFFFFC000;
	s6 =	smov.u32 s7;
	s9 =	sadd.s32 $0x20, s7  }
0x60: {  	[tilespmem:s23], [sflag:$0x2] =	stream.linear.gather [hbm4b:s8+s4], $0x80, $0x38;
	[tilespmem:$0x1C980] =	vst v63  }
0x61: {  	p0 =	sne.s32 s7, $0x4A0;
	s7 =	sadd.s32 $0xFFFFF800, s2  }
0x62: {  	[tilespmem:s24], [sflag:$0x2] =	stream.linear.gather [hbm4b:s7+s4], $0x4000, $0x38;
	[tilespmem:$0x1C980] =	vst v63  }
0x63: {  	_ =	swait.ge [sflag:s25], $0x80  }
0x64: {  	[sflag:s25] =	ssyncset.done $0x0  }
0x65: {  	[sflag:s25] =	ssyncadd.s32 $0xFFFFFF80  }
0x66: {  	_ =	swait.ge [sflag:s25], $0x4000  }
0x67: {  	[sflag:s25] =	ssyncset.done $0x0  }
0x68: {  	[sflag:s25] =	ssyncadd.s32 $0xFFFFC000  }
0x69: {  	[spmem:s3] =	stream.indirect.scatter.add.f32 [tilespmem:s4], [sflag:$0x3], $0x80, s22, s26, $0xb8;
	[tilespmem:$0x1C980] =	vst v63  }
0x6a: {  	_ =	swait.ge [sflag:s21], $0x4000  }
0x6b: {  	s7 =	sshrl.u32 s31, $0x3;
	[sflag:s21] =	ssyncset.done $0x0  }
0x6c: {  	s7 =	sadd.s32 s1, s7;
	[sflag:s21] =	ssyncadd.s32 $0xFFFFC000  }
0x6d: {  	[tilespmem:s22], [sflag:$0x1] =	stream.linear.gather [hbm4b:s7+s4], $0x80, $0x38;
	[tilespmem:$0x1C980] =	vst v63  }
0x6e: {  	_ = 	snop  }
0x6f: {  	[tilespmem:s4], [sflag:$0x1] =	stream.linear.gather [hbm4b:s2+s4], $0x4000, $0x38;
	[tilespmem:$0x1C980] =	vst v63  }
0x70: {  	_ =	swait.ge [sflag:s28], $0x80  }
0x71: {  	[sflag:s28] =	ssyncset.done $0x0  }
0x72: {  	[sflag:s28] =	ssyncadd.s32 $0xFFFFFF80  }
0x73: {  	_ =	swait.ge [sflag:s28], $0x4000  }
.Ltmp1:
0x74: {  	[sflag:s28] =	ssyncset.done $0x0;
	(pc) =	sbr.rel @p0 .LBB2_4-.Ltmp1, $4  }
0x75: {  	[sflag:s28] =	ssyncadd.s32 $0xFFFFC000  }
0x76: {  	[spmem:s3] =	stream.indirect.scatter.add.f32 [tilespmem:s24], [sflag:$0x3], $0x80, s23, s26, $0xb8;
	[tilespmem:$0x1C980] =	vst v63  }
0x77: {  	s31 =	sadd.s32 $0x100, s31;
	_ =	swait.ge [sflag:s21], $0x4000  }
0x78: {  	s7 =	smov.u32 s9;
	s2 =	sadd.s32 $0x1000, s2;
	[sflag:s21] =	ssyncset.done $0x0  }
0x79: {  	s6 =	sadd.s32 s6, s20;
	[sflag:s21] =	ssyncadd.s32 $0xFFFFC000  }
0x7a: {  	[tilespmem:s23], [sflag:$0x2] =	stream.linear.gather [hbm4b:s6+s4], $0x80, $0x38;
	[tilespmem:$0x1C980] =	vst v63  }
0x7b: {  	s9 =	sadd.s32 $0xFFFFF800, s2  }
0x7c: {  	[tilespmem:s24], [sflag:$0x2] =	stream.linear.gather [hbm4b:s9+s4], $0x4000, $0x38;
	[tilespmem:$0x1C980] =	vst v63  }
0x7d: {  	_ =	swait.ge [sflag:s25], $0x80  }
0x7e: {  	[sflag:s25] =	ssyncset.done $0x0  }
0x7f: {  	[sflag:s25] =	ssyncadd.s32 $0xFFFFFF80  }
0x80: {  	_ =	swait.ge [sflag:s25], $0x4000  }
0x81: {  	[sflag:s25] =	ssyncset.done $0x0  }
0x82: {  	[sflag:s25] =	ssyncadd.s32 $0xFFFFC000  }
0x83: {  	[spmem:s3] =	stream.indirect.scatter.add.f32 [tilespmem:s4], [sflag:$0x3], $0x80, s22, s26, $0xb8;
	[tilespmem:$0x1C980] =	vst v63  }
0x84: {  	_ =	swait.ge [sflag:s21], $0x4000  }
0x85: {  	s31 =	sshrl.u32 s31, $0x3;
	[sflag:s21] =	ssyncset.done $0x0  }
0x86: {  	s6 =	sadd.s32 s1, s31;
	[sflag:s21] =	ssyncadd.s32 $0xFFFFC000  }
0x87: {  	[tilespmem:s22], [sflag:$0x1] =	stream.linear.gather [hbm4b:s6+s4], $0x80, $0x38;
	[tilespmem:$0x1C980] =	vst v63  }
0x88: {  	_ = 	snop  }
0x89: {  	[tilespmem:s4], [sflag:$0x1] =	stream.linear.gather [hbm4b:s2+s4], $0x4000, $0x38;
	[tilespmem:$0x1C980] =	vst v63  }
0x8a: {  	_ =	swait.ge [sflag:s28], $0x80  }
0x8b: {  	[sflag:s28] =	ssyncset.done $0x0  }
0x8c: {  	[sflag:s28] =	ssyncadd.s32 $0xFFFFFF80  }
0x8d: {  	_ =	swait.ge [sflag:s28], $0x4000  }
0x8e: {  	[sflag:s28] =	ssyncset.done $0x0  }
0x8f: {  	[sflag:s28] =	ssyncadd.s32 $0xFFFFC000  }
0x90: {  	[spmem:s3] =	stream.indirect.scatter.add.f32 [tilespmem:s24], [sflag:$0x3], $0x80, s23, s26, $0xb8;
	[tilespmem:$0x1C980] =	vst v63  }
0x91: {  	_ =	swait.ge [sflag:s21], $0x4000  }
0x92: {  	[sflag:s21] =	ssyncset.done $0x0  }
0x93: {  	s6 =	rddreg [dreg:$0x7];
	[sflag:s21] =	ssyncadd.s32 $0xFFFFC000  }
0x94: {  	[tilespmem:s23], [sflag:$0x2] =	stream.linear.gather [hbm4b:s6+s4], $0x80, $0x38;
	[tilespmem:$0x1C980] =	vst v63  }
0x95: {  	s7 =	rddreg [dreg:$0x8]  }
0x96: {  	[tilespmem:s24], [sflag:$0x2] =	stream.linear.gather [hbm4b:s7+s4], $0x4000, $0x38;
	[tilespmem:$0x1C980] =	vst v63  }
0x97: {  	_ =	swait.ge [sflag:s25], $0x80  }
0x98: {  	[sflag:s25] =	ssyncset.done $0x0  }
0x99: {  	[sflag:s25] =	ssyncadd.s32 $0xFFFFFF80  }
0x9a: {  	_ =	swait.ge [sflag:s25], $0x4000  }
0x9b: {  	[sflag:s25] =	ssyncset.done $0x0  }
0x9c: {  	[sflag:s25] =	ssyncadd.s32 $0xFFFFC000  }
0x9d: {  	[spmem:s3] =	stream.indirect.scatter.add.f32 [tilespmem:s4], [sflag:$0x3], $0x80, s22, s26, $0xb8;
	[tilespmem:$0x1C980] =	vst v63  }
0x9e: {  	_ =	swait.ge [sflag:s21], $0x4000  }
0x9f: {  	[sflag:s21] =	ssyncset.done $0x0  }
0xa0: {  	[sflag:s21] =	ssyncadd.s32 $0xFFFFC000  }
0xa1: {  	[tilespmem:s29], [sflag:$0x1] =	stream.linear.gather [hbm4b:s10+s4], $0x10, $0x38;
	[tilespmem:$0x1C980] =	vst v63  }
0xa2: {  	_ = 	snop  }
0xa3: {  	[tilespmem:s30], [sflag:$0x1] =	stream.linear.gather [hbm4b:s11+s4], $0x800, $0x38;
	[tilespmem:$0x1C980] =	vst v63  }
0xa4: {  	_ =	swait.ge [sflag:s28], $0x80  }
0xa5: {  	[sflag:s28] =	ssyncset.done $0x0  }
0xa6: {  	[sflag:s28] =	ssyncadd.s32 $0xFFFFFF80  }
0xa7: {  	_ =	swait.ge [sflag:s28], $0x4000  }
0xa8: {  	[sflag:s28] =	ssyncset.done $0x0  }
0xa9: {  	[sflag:s28] =	ssyncadd.s32 $0xFFFFC000  }
0xaa: {  	[spmem:s3] =	stream.indirect.scatter.add.f32 [tilespmem:s24], [sflag:$0x3], $0x80, s23, s26, $0xb8;
	[tilespmem:$0x1C980] =	vst v63  }
0xab: {  	_ =	swait.ge [sflag:s21], $0x4000  }
0xac: {  	[sflag:s21] =	ssyncset.done $0x0  }
0xad: {  	[sflag:s21] =	ssyncadd.s32 $0xFFFFC000  }
0xae: {  	_ =	swait.ge [sflag:s25], $0x10  }
0xaf: {  	[sflag:s25] =	ssyncset.done $0x0  }
0xb0: {  	[sflag:s25] =	ssyncadd.s32 $0xFFFFFFF0  }
0xb1: {  	_ =	swait.ge [sflag:s25], $0x800  }
0xb2: {  	[sflag:s25] =	ssyncset.done $0x0  }
0xb3: {  	s8 =	simm.s32 $0x10;
	[sflag:s25] =	ssyncadd.s32 $0xFFFFF800  }
0xb4: {  	[spmem:s3] =	stream.indirect.scatter.add.f32 [tilespmem:s30], [sflag:$0x3], $0x80, s29, s8, $0xb8;
	[tilespmem:$0x1C980] =	vst v63  }
0xb5: {  	s0 =	sadd.s32 $0x1, s0;
	_ =	swait.ge [sflag:s21], $0x800  }
0xb6: {  	s31 =	sshrl.u32 s5, $0x3;
	s9 =	stileid.u32;
	[sflag:s21] =	ssyncset.done $0x0  }
0xb7: {  	p0 =	sne.s32 s0, s13;
	s2 =	sshll.u32 s9, $0x6;
	[sflag:s21] =	ssyncadd.s32 $0xFFFFF800  }
.Ltmp2:
0xb8: {  	s2 =	sor.u32 $0x1C03, s2;
	[bflag:$0x0] =	sbarrier.arrive $0xFFFF;
	(pc) =	sbr.rel @p0 .LBB2_1-.Ltmp2, $4  }
0xb9: {  	[hbm:s12], [sflag:s2] =	dma.local [spmem:s31], $0x2800  }
0xba: {  	_ =	swait.ge [sflag:s21], $0x2800  }
0xbb: {  	[sflag:s21] =	ssyncset.done $0x0  }
0xbc: {  	[sflag:s21] =	ssyncadd.s32 $0xFFFFD800  }
0xbd: {  	_ =	sfence.sel $0x180000  }
0xbe: {  	[bflag:$0x0] =	sbarrier.arrive $0xFFFF  }
0xbf: {  	_ =	strace $0x90000047  }
0xc0: {  	s0 =	stileid.u32;
	[bflag:$0x2] =	sbarrier.arrive $0xFFFF  }
0xc1: {  	p0 =	sne.s32 s0, $0x0;
	s0 =	rddreg [dreg:$0x4]  }
0xc2: {  	s0 =	sadd.s32 @!p0 $0x100000, s0  }
0xc3: {  	[sflag:s0] =	ssyncadd.tile.s32 @!p0 $0x1;
	_ =	shalt  }
.Lfunc_end2:
_tile_overlayer_lowered:
.L_overlay_start_2:
0xc4: {  	(tag) =	ssettag $0x2  }
0xc5: {  	s0 =	rddreg [dreg:$0x0];
	s2 =	stileid.u32  }
0xc6: {  	s1 =	rddreg [dreg:$0x1];
	p0 =	sne.s32 s2, $0x0  }
0xc7: {  	s3 =	rddreg [dreg:$0x2];
	[bflag:$0x3] =	sbarrier.arrive $0xFFFF;
	s2 =	simm.s32 @!p0 $0x1C03  }
0xc8: {  	[timem:s3], [sflag:s2] =	dma.local @!p0 [hbm:s0], s1  }
0xc9: {  	s0 =	simm.s32 @!p0 $0x3  }
0xca: {  	_ =	swait.ge @!p0 [sflag:s0], s1  }
0xcb: {  	s1 =	ssub.s32 @!p0 $0x0, s1;
	[sflag:s0] =	ssyncset.done @!p0 $0x0  }
0xcc: {  	[sflag:s0] =	ssyncadd.s32 @!p0 s1  }
0xcd: {  	[bflag:$0x3] =	sbarrier.arrive $0xFFFF  }
0xce: {  	_ =	shalt  }

</sc_bundles>
